<compile_context>
chip_gen: v7x
topology: tpu7x:2x2x1
jax: 0.10.2.dev20260603
libtpu: 0.0.44.dev20260713+nightly
codegen_flags: <defaults>
</compile_context>

<pallas_src>
import functools

import jax
import jax.numpy as jnp
from jax import lax
from jax.experimental import pallas as pl
from jax.experimental.pallas import tpu as pltpu
from jax.experimental.pallas import tpu_sc as plsc

N_NODES = 10000
N_EDGES = 320000
D_FEAT = 128
K_HOPS = 2
LANES = 16

NUM_CORES = 2
NUM_SUBCORES = 16
NUM_WORKERS = NUM_CORES * NUM_SUBCORES
F_PER_TILE = D_FEAT // NUM_WORKERS

CHUNK = 8000
N_CHUNKS = N_EDGES // CHUNK
N_PAIRS = N_CHUNKS // 2
N_GROUPS = CHUNK // LANES
ROW = 2 * CHUNK

SLICE = F_PER_TILE * N_NODES
N_ZERO_FLAT = SLICE // LANES


def _gcn_body(x_t, ep_h, out, tab_a, tab_b, eb0, eb1, s0, s1):
    wid = lax.axis_index("s") * NUM_CORES + lax.axis_index("c")
    fbase = wid * SLICE

    pltpu.sync_copy(x_t.at[pl.ds(fbase, SLICE)], tab_a)

    zero16 = jnp.zeros((LANES,), jnp.float32)

    def zero_ref(ref):
        @plsc.parallel_loop(0, N_ZERO_FLAT, 1, unroll=8)
        def zbody(i):
            ref[pl.ds(i * LANES, LANES)] = zero16

    def compute(eb, table, acc):
        @plsc.parallel_loop(0, N_GROUPS, 1, unroll=8)
        def grp(i):
            gb = i * LANES
            sd16 = eb[pl.ds(gb, LANES)]
            s16 = sd16 & 0xFFFF
            d16 = lax.shift_right_logical(sd16, 16)
            w16 = plsc.bitcast(eb[pl.ds(CHUNK + gb, LANES)], jnp.float32)
            for f in range(F_PER_TILE):
                off = f * N_NODES
                g = plsc.load_gather(table, [s16 + off])
                plsc.addupdate_scatter(acc, [d16 + off], g * w16)

    def hop(table, acc):
        pltpu.async_copy(ep_h.at[0], eb0, s0)
        pltpu.async_copy(ep_h.at[1], eb1, s1)

        def pair(p, _):
            c = 2 * p
            pltpu.make_async_copy(ep_h.at[0], eb0, s0).wait()
            compute(eb0, table, acc)
            pltpu.async_copy(ep_h.at[c + 2], eb0, s0)
            pltpu.make_async_copy(ep_h.at[0], eb1, s1).wait()
            compute(eb1, table, acc)
            pltpu.async_copy(ep_h.at[c + 3], eb1, s1)
            return 0

        lax.fori_loop(0, N_PAIRS, pair, 0)
        pltpu.make_async_copy(ep_h.at[0], eb0, s0).wait()
        pltpu.make_async_copy(ep_h.at[0], eb1, s1).wait()

    zero_ref(tab_b)
    hop(tab_a, tab_b)
    zero_ref(tab_a)
    hop(tab_b, tab_a)

    pltpu.sync_copy(tab_a, out.at[pl.ds(fbase, SLICE)])


_gcn = functools.partial(
    pl.kernel,
    out_type=jax.ShapeDtypeStruct((D_FEAT * N_NODES,), jnp.float32),
    mesh=plsc.VectorSubcoreMesh(core_axis_name="c", subcore_axis_name="s"),
    compiler_params=pltpu.CompilerParams(needs_layout_passes=False),
    scratch_types=[
        pltpu.VMEM((SLICE,), jnp.float32),
        pltpu.VMEM((SLICE,), jnp.float32),
        pltpu.VMEM((ROW,), jnp.int32),
        pltpu.VMEM((ROW,), jnp.int32),
        pltpu.SemaphoreType.DMA,
        pltpu.SemaphoreType.DMA,
    ],
)(_gcn_body)


def kernel(x, edge_index, edge_weight):
    x_t = x.T.reshape(-1)
    wbits = lax.bitcast_convert_type(edge_weight, jnp.int32)
    sd = edge_index[0] | (edge_index[1] << 16)
    e2 = jnp.stack([sd, wbits])
    epack = (e2.reshape(2, N_CHUNKS, CHUNK)
             .transpose(1, 0, 2)
             .reshape(N_CHUNKS, ROW))
    epack = jnp.concatenate(
        [epack, jnp.zeros((2, ROW), jnp.int32)], axis=0)
    out_t = _gcn(x_t, epack)
    return out_t.reshape(D_FEAT, N_NODES).T

# --- scband reference (transcript-rebuilt; emitter-appended) ---
"""Pipeline reference for scband-iu-gcn-74646531605062 (READ-ONLY COPY).

The authoritative reference and input builder live on the scoring server;
editing this copy changes nothing except your own understanding.
"""

import jax, jax.numpy as jnp
import numpy as np

N_NODES = 10000
N_EDGES = 320000
D_FEAT = 128
K_HOPS = 2


def setup_inputs(seed: int = 0) -> dict:
    key = jax.random.key(seed)
    k1, k2, k3 = jax.random.split(key, 3)
    x = jax.random.normal(k1, (N_NODES, D_FEAT), dtype=jnp.float32)
    edge_index = jax.random.randint(k2, (2, N_EDGES), 0, N_NODES, dtype=jnp.int32)
    edge_weight = jax.random.uniform(k3, (N_EDGES,), dtype=jnp.float32)
    return {"x": x, "edge_index": edge_index, "edge_weight": edge_weight}


def reference(x, edge_index, edge_weight):
    # IU_GCN forward (eval mode: dropouts are identity).
    # Each hop: m_e = h[src_e] * w_e ; h_v = sum_{e: dst_e = v} m_e  (DGL u_mul_e + sum)
    src = edge_index[0]
    dst = edge_index[1]
    h = x
    for _ in range(K_HOPS):
        m = jnp.take(h, src, axis=0) * edge_weight[:, None]
        h = jax.ops.segment_sum(m, dst, num_segments=N_NODES)
    return h

if __name__ == "__main__":
    import jax
    _d = setup_inputs()
    print(jax.jit(kernel)(*tuple(_d.values())))

</pallas_src>

<mosaic_0001>
#map = affine_map<(d0, d1) -> (0)>
#map1 = affine_map<(d0, d1) -> (0, 0)>
module attributes {stable_mosaic.version = 14 : i64} {
  func.func @_gcn_body(%arg0: i32, %arg1: i32, %arg2: memref<1280000xf32, #tpu.memory_space<hbm>>, %arg3: memref<42x16000xi32, #tpu.memory_space<hbm>>, %arg4: memref<1280000xf32, #tpu.memory_space<hbm>>, %arg5: memref<40000xf32, #tpu.memory_space<vmem>>, %arg6: memref<40000xf32, #tpu.memory_space<vmem>>, %arg7: memref<16000xi32, #tpu.memory_space<vmem>>, %arg8: memref<16000xi32, #tpu.memory_space<vmem>>, %arg9: memref<!tpu.dma_semaphore, #tpu.memory_space<semaphore_mem>>, %arg10: memref<!tpu.dma_semaphore, #tpu.memory_space<semaphore_mem>>) attributes {dimension_semantics = [#tpu.dimension_semantics<core_parallel>, #tpu.dimension_semantics<subcore_parallel>], iteration_bounds = array<i64: 2, 16>, scalar_prefetch = 0 : i64, scratch_operands = 6 : i64, tpu.core_type = #tpu.core_type<sc_vector_subcore>, window_params = [{transform_indices = #map}, {transform_indices = #map1}, {transform_indices = #map}]} {
    %mul3A = arith.constant 2 : i32
    %mul3A_0 = arith.muli %arg1, %mul3A : i32
    %add3A = arith.addi %mul3A_0, %arg0 : i32
    %mul3A_1 = arith.constant 40000 : i32
    %mul3A_2 = arith.muli %add3A, %mul3A_1 : i32
    "tpu.region"() ({
      %run_scoped3A = tpu.sem_alloc : memref<!tpu.dma_semaphore, #tpu.memory_space<semaphore_mem>>
      %dma_start3A_76 = tpu.memref_slice %arg2[%mul3A_2] : memref<1280000xf32, #tpu.memory_space<hbm>> -> memref<40000xf32, #tpu.memory_space<hbm>>
      %dma_start3A_77 = tpu.memref_slice %arg2[%mul3A_2] : memref<1280000xf32, #tpu.memory_space<hbm>> -> memref<40000xf32, #tpu.memory_space<hbm>>
      tpu.enqueue_dma source(%dma_start3A_77 : memref<40000xf32, #tpu.memory_space<hbm>>) target(%arg5 : memref<40000xf32, #tpu.memory_space<vmem>>) target_semaphore(%run_scoped3A : memref<!tpu.dma_semaphore, #tpu.memory_space<semaphore_mem>>)
      %dma_wait3A_78 = tpu.memref_slice %arg2[%mul3A_2] : memref<1280000xf32, #tpu.memory_space<hbm>> -> memref<40000xf32, #tpu.memory_space<hbm>>
      %dma_wait3A_79 = tpu.memref_slice %arg2[%mul3A_2] : memref<1280000xf32, #tpu.memory_space<hbm>> -> memref<40000xf32, #tpu.memory_space<hbm>>
      tpu.wait_dma2 semaphore(%run_scoped3A : memref<!tpu.dma_semaphore, #tpu.memory_space<semaphore_mem>>) src(%dma_wait3A_79 : memref<40000xf32, #tpu.memory_space<hbm>>) dst(%arg5 : memref<40000xf32, #tpu.memory_space<vmem>>)
      tpu.yield
    }) : () -> ()
    %broadcast_in_dim3A = arith.constant 0.000000e+00 : f32
    %broadcast_in_dim3A_3 = vector.broadcast %broadcast_in_dim3A : f32 to vector<16xf32>
    %parallel_loop3A = arith.constant 0 : i32
    %parallel_loop3A_4 = arith.constant 2500 : i32
    %parallel_loop3A_5 = arith.constant 1 : i32
    scf.for %parallel_loop3A_76 = %parallel_loop3A to %parallel_loop3A_4 step %parallel_loop3A_5  : i32 {
      %parallel_loop3A_77 = arith.constant 16 : i32
      %parallel_loop3A_78 = arith.muli %parallel_loop3A_76, %parallel_loop3A_77 : i32
      %parallel_loop3A_79 = arith.index_cast %parallel_loop3A_78 : i32 to index
      %parallel_loop3A_80 = tpu.vector_load %arg6[%parallel_loop3A_79] {strides = array<i32>} : memref<40000xf32, #tpu.memory_space<vmem>>, vector<16xf32>,
      tpu.vector_store %arg6[%parallel_loop3A_79], %broadcast_in_dim3A_3 {strides = array<i32>} : memref<40000xf32, #tpu.memory_space<vmem>>, vector<16xf32>,
    } {sc.loop_unroll_factor = 8 : i64, sc.parallel_access}
    %dma_start3A = arith.constant 0 : i32
    %dma_start3A_6 = arith.constant 0 : i32
    %dma_start3A_7 = tpu.memref_slice %arg3[%dma_start3A, %dma_start3A_6] : memref<42x16000xi32, #tpu.memory_space<hbm>> -> memref<1x16000xi32, #tpu.memory_space<hbm>>
    %dma_start3A_8 = tpu.memref_squeeze %dma_start3A_7 : memref<1x16000xi32, #tpu.memory_space<hbm>> -> memref<16000xi32, #tpu.memory_space<hbm>>
    %dma_start3A_9 = arith.constant 0 : i32
    %dma_start3A_10 = tpu.memref_slice %arg3[%dma_start3A, %dma_start3A_9] : memref<42x16000xi32, #tpu.memory_space<hbm>> -> memref<1x16000xi32, #tpu.memory_space<hbm>>
    %dma_start3A_11 = tpu.memref_squeeze %dma_start3A_10 : memref<1x16000xi32, #tpu.memory_space<hbm>> -> memref<16000xi32, #tpu.memory_space<hbm>>
    tpu.enqueue_dma source(%dma_start3A_11 : memref<16000xi32, #tpu.memory_space<hbm>>) target(%arg7 : memref<16000xi32, #tpu.memory_space<vmem>>) target_semaphore(%arg9 : memref<!tpu.dma_semaphore, #tpu.memory_space<semaphore_mem>>)
    %dma_start3A_12 = arith.constant 1 : i32
    %dma_start3A_13 = arith.constant 0 : i32
    %dma_start3A_14 = tpu.memref_slice %arg3[%dma_start3A_12, %dma_start3A_13] : memref<42x16000xi32, #tpu.memory_space<hbm>> -> memref<1x16000xi32, #tpu.memory_space<hbm>>
    %dma_start3A_15 = tpu.memref_squeeze %dma_start3A_14 : memref<1x16000xi32, #tpu.memory_space<hbm>> -> memref<16000xi32, #tpu.memory_space<hbm>>
    %dma_start3A_16 = arith.constant 0 : i32
    %dma_start3A_17 = tpu.memref_slice %arg3[%dma_start3A_12, %dma_start3A_16] : memref<42x16000xi32, #tpu.memory_space<hbm>> -> memref<1x16000xi32, #tpu.memory_space<hbm>>
    %dma_start3A_18 = tpu.memref_squeeze %dma_start3A_17 : memref<1x16000xi32, #tpu.memory_space<hbm>> -> memref<16000xi32, #tpu.memory_space<hbm>>
    tpu.enqueue_dma source(%dma_start3A_18 : memref<16000xi32, #tpu.memory_space<hbm>>) target(%arg8 : memref<16000xi32, #tpu.memory_space<vmem>>) target_semaphore(%arg10 : memref<!tpu.dma_semaphore, #tpu.memory_space<semaphore_mem>>)
    %scan3A = arith.constant 0 : i32
    %scan3A_19 = arith.constant 0 : i32
    %scan3A_20 = arith.constant 20 : i32
    %scan3A_21 = arith.addi %scan3A_19, %scan3A_20 : i32
    %scan3A_22 = arith.constant 1 : i32
    %scan3A_23 = scf.for %scan3A_76 = %scan3A_19 to %scan3A_21 step %scan3A_22 iter_args(%scan3A_77 = %scan3A) -> (i32)  : i32 {
      %mul3A_78 = arith.constant 2 : i32
      %mul3A_79 = arith.muli %mul3A_78, %scan3A_76 : i32
      %dma_wait3A_80 = arith.constant 0 : i32
      %dma_wait3A_81 = arith.constant 0 : i32
      %dma_wait3A_82 = tpu.memref_slice %arg3[%dma_wait3A_80, %dma_wait3A_81] : memref<42x16000xi32, #tpu.memory_space<hbm>> -> memref<1x16000xi32, #tpu.memory_space<hbm>>
      %dma_wait3A_83 = tpu.memref_squeeze %dma_wait3A_82 : memref<1x16000xi32, #tpu.memory_space<hbm>> -> memref<16000xi32, #tpu.memory_space<hbm>>
      %dma_wait3A_84 = arith.constant 0 : i32
      %dma_wait3A_85 = tpu.memref_slice %arg3[%dma_wait3A_80, %dma_wait3A_84] : memref<42x16000xi32, #tpu.memory_space<hbm>> -> memref<1x16000xi32, #tpu.memory_space<hbm>>
      %dma_wait3A_86 = tpu.memref_squeeze %dma_wait3A_85 : memref<1x16000xi32, #tpu.memory_space<hbm>> -> memref<16000xi32, #tpu.memory_space<hbm>>
      tpu.wait_dma2 semaphore(%arg9 : memref<!tpu.dma_semaphore, #tpu.memory_space<semaphore_mem>>) src(%dma_wait3A_86 : memref<16000xi32, #tpu.memory_space<hbm>>) dst(%arg7 : memref<16000xi32, #tpu.memory_space<vmem>>)
      %parallel_loop3A_87 = arith.constant 0 : i32
      %parallel_loop3A_88 = arith.constant 500 : i32
      %parallel_loop3A_89 = arith.constant 1 : i32
      scf.for %parallel_loop3A_117 = %parallel_loop3A_87 to %parallel_loop3A_88 step %parallel_loop3A_89  : i32 {
        %parallel_loop3A_118 = arith.constant 16 : i32
        %parallel_loop3A_119 = arith.muli %parallel_loop3A_117, %parallel_loop3A_118 : i32
        %parallel_loop3A_120 = arith.index_cast %parallel_loop3A_119 : i32 to index
        %parallel_loop3A_121 = tpu.vector_load %arg7[%parallel_loop3A_120] {strides = array<i32>} : memref<16000xi32, #tpu.memory_space<vmem>>, vector<16xi32>,
        %parallel_loop3A_122 = arith.constant 65535 : i32
        %parallel_loop3A_123 = vector.broadcast %parallel_loop3A_122 : i32 to vector<16xi32>
        %parallel_loop3A_124 = arith.andi %parallel_loop3A_121, %parallel_loop3A_123 : vector<16xi32>
        %parallel_loop3A_125 = arith.constant 16 : i32
        %parallel_loop3A_126 = vector.broadcast %parallel_loop3A_125 : i32 to vector<16xi32>
        %parallel_loop3A_127 = arith.shrui %parallel_loop3A_121, %parallel_loop3A_126 : vector<16xi32>
        %parallel_loop3A_128 = arith.constant 8000 : i32
        %parallel_loop3A_129 = arith.addi %parallel_loop3A_128, %parallel_loop3A_119 : i32
        %parallel_loop3A_130 = arith.index_cast %parallel_loop3A_129 : i32 to index
        %parallel_loop3A_131 = tpu.vector_load %arg7[%parallel_loop3A_130] {strides = array<i32>} : memref<16000xi32, #tpu.memory_space<vmem>>, vector<16xi32>,
        %parallel_loop3A_132 = vector.bitcast %parallel_loop3A_131 : vector<16xi32> to vector<16xf32>
        %parallel_loop3A_133 = arith.constant 0 : i32
        %parallel_loop3A_134 = vector.broadcast %parallel_loop3A_133 : i32 to vector<16xi32>
        %parallel_loop3A_135 = arith.addi %parallel_loop3A_124, %parallel_loop3A_134 : vector<16xi32>
        %parallel_loop3A_136 = tpu.vector_load_idx %arg5[%parallel_loop3A_135] : memref<40000xf32, #tpu.memory_space<vmem>>[vector<16xi32>], vector<16xf32>,
        %parallel_loop3A_137 = arith.constant 0 : i32
        %parallel_loop3A_138 = vector.broadcast %parallel_loop3A_137 : i32 to vector<16xi32>
        %parallel_loop3A_139 = arith.addi %parallel_loop3A_127, %parallel_loop3A_138 : vector<16xi32>
        %parallel_loop3A_140 = arith.mulf %parallel_loop3A_136, %parallel_loop3A_132 : vector<16xf32>
        tpu.vector_store_idx %arg6[%parallel_loop3A_139], %parallel_loop3A_140 {add = true} : memref<40000xf32, #tpu.memory_space<vmem>>[vector<16xi32>], vector<16xf32>,
        %parallel_loop3A_141 = arith.constant 10000 : i32
        %parallel_loop3A_142 = vector.broadcast %parallel_loop3A_141 : i32 to vector<16xi32>
        %parallel_loop3A_143 = arith.addi %parallel_loop3A_124, %parallel_loop3A_142 : vector<16xi32>
        %parallel_loop3A_144 = tpu.vector_load_idx %arg5[%parallel_loop3A_143] : memref<40000xf32, #tpu.memory_space<vmem>>[vector<16xi32>], vector<16xf32>,
        %parallel_loop3A_145 = arith.constant 10000 : i32
        %parallel_loop3A_146 = vector.broadcast %parallel_loop3A_145 : i32 to vector<16xi32>
        %parallel_loop3A_147 = arith.addi %parallel_loop3A_127, %parallel_loop3A_146 : vector<16xi32>
        %parallel_loop3A_148 = arith.mulf %parallel_loop3A_144, %parallel_loop3A_132 : vector<16xf32>
        tpu.vector_store_idx %arg6[%parallel_loop3A_147], %parallel_loop3A_148 {add = true} : memref<40000xf32, #tpu.memory_space<vmem>>[vector<16xi32>], vector<16xf32>,
        %parallel_loop3A_149 = arith.constant 20000 : i32
        %parallel_loop3A_150 = vector.broadcast %parallel_loop3A_149 : i32 to vector<16xi32>
        %parallel_loop3A_151 = arith.addi %parallel_loop3A_124, %parallel_loop3A_150 : vector<16xi32>
        %parallel_loop3A_152 = tpu.vector_load_idx %arg5[%parallel_loop3A_151] : memref<40000xf32, #tpu.memory_space<vmem>>[vector<16xi32>], vector<16xf32>,
        %parallel_loop3A_153 = arith.constant 20000 : i32
        %parallel_loop3A_154 = vector.broadcast %parallel_loop3A_153 : i32 to vector<16xi32>
        %parallel_loop3A_155 = arith.addi %parallel_loop3A_127, %parallel_loop3A_154 : vector<16xi32>
        %parallel_loop3A_156 = arith.mulf %parallel_loop3A_152, %parallel_loop3A_132 : vector<16xf32>
        tpu.vector_store_idx %arg6[%parallel_loop3A_155], %parallel_loop3A_156 {add = true} : memref<40000xf32, #tpu.memory_space<vmem>>[vector<16xi32>], vector<16xf32>,
        %parallel_loop3A_157 = arith.constant 30000 : i32
        %parallel_loop3A_158 = vector.broadcast %parallel_loop3A_157 : i32 to vector<16xi32>
        %parallel_loop3A_159 = arith.addi %parallel_loop3A_124, %parallel_loop3A_158 : vector<16xi32>
        %parallel_loop3A_160 = tpu.vector_load_idx %arg5[%parallel_loop3A_159] : memref<40000xf32, #tpu.memory_space<vmem>>[vector<16xi32>], vector<16xf32>,
        %parallel_loop3A_161 = arith.constant 30000 : i32
        %parallel_loop3A_162 = vector.broadcast %parallel_loop3A_161 : i32 to vector<16xi32>
        %parallel_loop3A_163 = arith.addi %parallel_loop3A_127, %parallel_loop3A_162 : vector<16xi32>
        %parallel_loop3A_164 = arith.mulf %parallel_loop3A_160, %parallel_loop3A_132 : vector<16xf32>
        tpu.vector_store_idx %arg6[%parallel_loop3A_163], %parallel_loop3A_164 {add = true} : memref<40000xf32, #tpu.memory_space<vmem>>[vector<16xi32>], vector<16xf32>,
      } {sc.loop_unroll_factor = 8 : i64, sc.parallel_access}
      %add3A_90 = arith.constant 2 : i32
      %add3A_91 = arith.addi %mul3A_79, %add3A_90 : i32
      %dma_start3A_92 = arith.constant 0 : i32
      %dma_start3A_93 = tpu.memref_slice %arg3[%add3A_91, %dma_start3A_92] : memref<42x16000xi32, #tpu.memory_space<hbm>> -> memref<1x16000xi32, #tpu.memory_space<hbm>>
      %dma_start3A_94 = tpu.memref_squeeze %dma_start3A_93 : memref<1x16000xi32, #tpu.memory_space<hbm>> -> memref<16000xi32, #tpu.memory_space<hbm>>
      %dma_start3A_95 = arith.constant 0 : i32
      %dma_start3A_96 = tpu.memref_slice %arg3[%add3A_91, %dma_start3A_95] : memref<42x16000xi32, #tpu.memory_space<hbm>> -> memref<1x16000xi32, #tpu.memory_space<hbm>>
      %dma_start3A_97 = tpu.memref_squeeze %dma_start3A_96 : memref<1x16000xi32, #tpu.memory_space<hbm>> -> memref<16000xi32, #tpu.memory_space<hbm>>
      tpu.enqueue_dma source(%dma_start3A_97 : memref<16000xi32, #tpu.memory_space<hbm>>) target(%arg7 : memref<16000xi32, #tpu.memory_space<vmem>>) target_semaphore(%arg9 : memref<!tpu.dma_semaphore, #tpu.memory_space<semaphore_mem>>)
      %dma_wait3A_98 = arith.constant 0 : i32
      %dma_wait3A_99 = arith.constant 0 : i32
      %dma_wait3A_100 = tpu.memref_slice %arg3[%dma_wait3A_98, %dma_wait3A_99] : memref<42x16000xi32, #tpu.memory_space<hbm>> -> memref<1x16000xi32, #tpu.memory_space<hbm>>
      %dma_wait3A_101 = tpu.memref_squeeze %dma_wait3A_100 : memref<1x16000xi32, #tpu.memory_space<hbm>> -> memref<16000xi32, #tpu.memory_space<hbm>>
      %dma_wait3A_102 = arith.constant 0 : i32
      %dma_wait3A_103 = tpu.memref_slice %arg3[%dma_wait3A_98, %dma_wait3A_102] : memref<42x16000xi32, #tpu.memory_space<hbm>> -> memref<1x16000xi32, #tpu.memory_space<hbm>>
      %dma_wait3A_104 = tpu.memref_squeeze %dma_wait3A_103 : memref<1x16000xi32, #tpu.memory_space<hbm>> -> memref<16000xi32, #tpu.memory_space<hbm>>
      tpu.wait_dma2 semaphore(%arg10 : memref<!tpu.dma_semaphore, #tpu.memory_space<semaphore_mem>>) src(%dma_wait3A_104 : memref<16000xi32, #tpu.memory_space<hbm>>) dst(%arg8 : memref<16000xi32, #tpu.memory_space<vmem>>)
      %parallel_loop3A_105 = arith.constant 0 : i32
      %parallel_loop3A_106 = arith.constant 500 : i32
      %parallel_loop3A_107 = arith.constant 1 : i32
      scf.for %parallel_loop3A_117 = %parallel_loop3A_105 to %parallel_loop3A_106 step %parallel_loop3A_107  : i32 {
        %parallel_loop3A_118 = arith.constant 16 : i32
        %parallel_loop3A_119 = arith.muli %parallel_loop3A_117, %parallel_loop3A_118 : i32
        %parallel_loop3A_120 = arith.index_cast %parallel_loop3A_119 : i32 to index
        %parallel_loop3A_121 = tpu.vector_load %arg8[%parallel_loop3A_120] {strides = array<i32>} : memref<16000xi32, #tpu.memory_space<vmem>>, vector<16xi32>,
        %parallel_loop3A_122 = arith.constant 65535 : i32
        %parallel_loop3A_123 = vector.broadcast %parallel_loop3A_122 : i32 to vector<16xi32>
        %parallel_loop3A_124 = arith.andi %parallel_loop3A_121, %parallel_loop3A_123 : vector<16xi32>
        %parallel_loop3A_125 = arith.constant 16 : i32
        %parallel_loop3A_126 = vector.broadcast %parallel_loop3A_125 : i32 to vector<16xi32>
        %parallel_loop3A_127 = arith.shrui %parallel_loop3A_121, %parallel_loop3A_126 : vector<16xi32>
        %parallel_loop3A_128 = arith.constant 8000 : i32
        %parallel_loop3A_129 = arith.addi %parallel_loop3A_128, %parallel_loop3A_119 : i32
        %parallel_loop3A_130 = arith.index_cast %parallel_loop3A_129 : i32 to index
        %parallel_loop3A_131 = tpu.vector_load %arg8[%parallel_loop3A_130] {strides = array<i32>} : memref<16000xi32, #tpu.memory_space<vmem>>, vector<16xi32>,
        %parallel_loop3A_132 = vector.bitcast %parallel_loop3A_131 : vector<16xi32> to vector<16xf32>
        %parallel_loop3A_133 = arith.constant 0 : i32
        %parallel_loop3A_134 = vector.broadcast %parallel_loop3A_133 : i32 to vector<16xi32>
        %parallel_loop3A_135 = arith.addi %parallel_loop3A_124, %parallel_loop3A_134 : vector<16xi32>
        %parallel_loop3A_136 = tpu.vector_load_idx %arg5[%parallel_loop3A_135] : memref<40000xf32, #tpu.memory_space<vmem>>[vector<16xi32>], vector<16xf32>,
        %parallel_loop3A_137 = arith.constant 0 : i32
        %parallel_loop3A_138 = vector.broadcast %parallel_loop3A_137 : i32 to vector<16xi32>
        %parallel_loop3A_139 = arith.addi %parallel_loop3A_127, %parallel_loop3A_138 : vector<16xi32>
        %parallel_loop3A_140 = arith.mulf %parallel_loop3A_136, %parallel_loop3A_132 : vector<16xf32>
        tpu.vector_store_idx %arg6[%parallel_loop3A_139], %parallel_loop3A_140 {add = true} : memref<40000xf32, #tpu.memory_space<vmem>>[vector<16xi32>], vector<16xf32>,
        %parallel_loop3A_141 = arith.constant 10000 : i32
        %parallel_loop3A_142 = vector.broadcast %parallel_loop3A_141 : i32 to vector<16xi32>
        %parallel_loop3A_143 = arith.addi %parallel_loop3A_124, %parallel_loop3A_142 : vector<16xi32>
        %parallel_loop3A_144 = tpu.vector_load_idx %arg5[%parallel_loop3A_143] : memref<40000xf32, #tpu.memory_space<vmem>>[vector<16xi32>], vector<16xf32>,
        %parallel_loop3A_145 = arith.constant 10000 : i32
        %parallel_loop3A_146 = vector.broadcast %parallel_loop3A_145 : i32 to vector<16xi32>
        %parallel_loop3A_147 = arith.addi %parallel_loop3A_127, %parallel_loop3A_146 : vector<16xi32>
        %parallel_loop3A_148 = arith.mulf %parallel_loop3A_144, %parallel_loop3A_132 : vector<16xf32>
        tpu.vector_store_idx %arg6[%parallel_loop3A_147], %parallel_loop3A_148 {add = true} : memref<40000xf32, #tpu.memory_space<vmem>>[vector<16xi32>], vector<16xf32>,
        %parallel_loop3A_149 = arith.constant 20000 : i32
        %parallel_loop3A_150 = vector.broadcast %parallel_loop3A_149 : i32 to vector<16xi32>
        %parallel_loop3A_151 = arith.addi %parallel_loop3A_124, %parallel_loop3A_150 : vector<16xi32>
        %parallel_loop3A_152 = tpu.vector_load_idx %arg5[%parallel_loop3A_151] : memref<40000xf32, #tpu.memory_space<vmem>>[vector<16xi32>], vector<16xf32>,
        %parallel_loop3A_153 = arith.constant 20000 : i32
        %parallel_loop3A_154 = vector.broadcast %parallel_loop3A_153 : i32 to vector<16xi32>
        %parallel_loop3A_155 = arith.addi %parallel_loop3A_127, %parallel_loop3A_154 : vector<16xi32>
        %parallel_loop3A_156 = arith.mulf %parallel_loop3A_152, %parallel_loop3A_132 : vector<16xf32>
        tpu.vector_store_idx %arg6[%parallel_loop3A_155], %parallel_loop3A_156 {add = true} : memref<40000xf32, #tpu.memory_space<vmem>>[vector<16xi32>], vector<16xf32>,
        %parallel_loop3A_157 = arith.constant 30000 : i32
        %parallel_loop3A_158 = vector.broadcast %parallel_loop3A_157 : i32 to vector<16xi32>
        %parallel_loop3A_159 = arith.addi %parallel_loop3A_124, %parallel_loop3A_158 : vector<16xi32>
        %parallel_loop3A_160 = tpu.vector_load_idx %arg5[%parallel_loop3A_159] : memref<40000xf32, #tpu.memory_space<vmem>>[vector<16xi32>], vector<16xf32>,
        %parallel_loop3A_161 = arith.constant 30000 : i32
        %parallel_loop3A_162 = vector.broadcast %parallel_loop3A_161 : i32 to vector<16xi32>
        %parallel_loop3A_163 = arith.addi %parallel_loop3A_127, %parallel_loop3A_162 : vector<16xi32>
        %parallel_loop3A_164 = arith.mulf %parallel_loop3A_160, %parallel_loop3A_132 : vector<16xf32>
        tpu.vector_store_idx %arg6[%parallel_loop3A_163], %parallel_loop3A_164 {add = true} : memref<40000xf32, #tpu.memory_space<vmem>>[vector<16xi32>], vector<16xf32>,
      } {sc.loop_unroll_factor = 8 : i64, sc.parallel_access}
      %add3A_108 = arith.constant 3 : i32
      %add3A_109 = arith.addi %mul3A_79, %add3A_108 : i32
      %dma_start3A_110 = arith.constant 0 : i32
      %dma_start3A_111 = tpu.memref_slice %arg3[%add3A_109, %dma_start3A_110] : memref<42x16000xi32, #tpu.memory_space<hbm>> -> memref<1x16000xi32, #tpu.memory_space<hbm>>
      %dma_start3A_112 = tpu.memref_squeeze %dma_start3A_111 : memref<1x16000xi32, #tpu.memory_space<hbm>> -> memref<16000xi32, #tpu.memory_space<hbm>>
      %dma_start3A_113 = arith.constant 0 : i32
      %dma_start3A_114 = tpu.memref_slice %arg3[%add3A_109, %dma_start3A_113] : memref<42x16000xi32, #tpu.memory_space<hbm>> -> memref<1x16000xi32, #tpu.memory_space<hbm>>
      %dma_start3A_115 = tpu.memref_squeeze %dma_start3A_114 : memref<1x16000xi32, #tpu.memory_space<hbm>> -> memref<16000xi32, #tpu.memory_space<hbm>>
      tpu.enqueue_dma source(%dma_start3A_115 : memref<16000xi32, #tpu.memory_space<hbm>>) target(%arg8 : memref<16000xi32, #tpu.memory_space<vmem>>) target_semaphore(%arg10 : memref<!tpu.dma_semaphore, #tpu.memory_space<semaphore_mem>>)
      %scan3A_116 = arith.constant 0 : i32
      scf.yield %scan3A_116 : i32
    }
    %scan3A_24 = arith.constant 20 : i32
    %dma_wait3A = arith.constant 0 : i32
    %dma_wait3A_25 = arith.constant 0 : i32
    %dma_wait3A_26 = tpu.memref_slice %arg3[%dma_wait3A, %dma_wait3A_25] : memref<42x16000xi32, #tpu.memory_space<hbm>> -> memref<1x16000xi32, #tpu.memory_space<hbm>>
    %dma_wait3A_27 = tpu.memref_squeeze %dma_wait3A_26 : memref<1x16000xi32, #tpu.memory_space<hbm>> -> memref<16000xi32, #tpu.memory_space<hbm>>
    %dma_wait3A_28 = arith.constant 0 : i32
    %dma_wait3A_29 = tpu.memref_slice %arg3[%dma_wait3A, %dma_wait3A_28] : memref<42x16000xi32, #tpu.memory_space<hbm>> -> memref<1x16000xi32, #tpu.memory_space<hbm>>
    %dma_wait3A_30 = tpu.memref_squeeze %dma_wait3A_29 : memref<1x16000xi32, #tpu.memory_space<hbm>> -> memref<16000xi32, #tpu.memory_space<hbm>>
    tpu.wait_dma2 semaphore(%arg9 : memref<!tpu.dma_semaphore, #tpu.memory_space<semaphore_mem>>) src(%dma_wait3A_30 : memref<16000xi32, #tpu.memory_space<hbm>>) dst(%arg7 : memref<16000xi32, #tpu.memory_space<vmem>>)
    %dma_wait3A_31 = arith.constant 0 : i32
    %dma_wait3A_32 = arith.constant 0 : i32
    %dma_wait3A_33 = tpu.memref_slice %arg3[%dma_wait3A_31, %dma_wait3A_32] : memref<42x16000xi32, #tpu.memory_space<hbm>> -> memref<1x16000xi32, #tpu.memory_space<hbm>>
    %dma_wait3A_34 = tpu.memref_squeeze %dma_wait3A_33 : memref<1x16000xi32, #tpu.memory_space<hbm>> -> memref<16000xi32, #tpu.memory_space<hbm>>
    %dma_wait3A_35 = arith.constant 0 : i32
    %dma_wait3A_36 = tpu.memref_slice %arg3[%dma_wait3A_31, %dma_wait3A_35] : memref<42x16000xi32, #tpu.memory_space<hbm>> -> memref<1x16000xi32, #tpu.memory_space<hbm>>
    %dma_wait3A_37 = tpu.memref_squeeze %dma_wait3A_36 : memref<1x16000xi32, #tpu.memory_space<hbm>> -> memref<16000xi32, #tpu.memory_space<hbm>>
    tpu.wait_dma2 semaphore(%arg10 : memref<!tpu.dma_semaphore, #tpu.memory_space<semaphore_mem>>) src(%dma_wait3A_37 : memref<16000xi32, #tpu.memory_space<hbm>>) dst(%arg8 : memref<16000xi32, #tpu.memory_space<vmem>>)
    %parallel_loop3A_38 = arith.constant 0 : i32
    %parallel_loop3A_39 = arith.constant 2500 : i32
    %parallel_loop3A_40 = arith.constant 1 : i32
    scf.for %parallel_loop3A_76 = %parallel_loop3A_38 to %parallel_loop3A_39 step %parallel_loop3A_40  : i32 {
      %parallel_loop3A_77 = arith.constant 16 : i32
      %parallel_loop3A_78 = arith.muli %parallel_loop3A_76, %parallel_loop3A_77 : i32
      %parallel_loop3A_79 = arith.index_cast %parallel_loop3A_78 : i32 to index
      %parallel_loop3A_80 = tpu.vector_load %arg5[%parallel_loop3A_79] {strides = array<i32>} : memref<40000xf32, #tpu.memory_space<vmem>>, vector<16xf32>,
      tpu.vector_store %arg5[%parallel_loop3A_79], %broadcast_in_dim3A_3 {strides = array<i32>} : memref<40000xf32, #tpu.memory_space<vmem>>, vector<16xf32>,
    } {sc.loop_unroll_factor = 8 : i64, sc.parallel_access}
    %dma_start3A_41 = arith.constant 0 : i32
    %dma_start3A_42 = arith.constant 0 : i32
    %dma_start3A_43 = tpu.memref_slice %arg3[%dma_start3A_41, %dma_start3A_42] : memref<42x16000xi32, #tpu.memory_space<hbm>> -> memref<1x16000xi32, #tpu.memory_space<hbm>>
    %dma_start3A_44 = tpu.memref_squeeze %dma_start3A_43 : memref<1x16000xi32, #tpu.memory_space<hbm>> -> memref<16000xi32, #tpu.memory_space<hbm>>
    %dma_start3A_45 = arith.constant 0 : i32
    %dma_start3A_46 = tpu.memref_slice %arg3[%dma_start3A_41, %dma_start3A_45] : memref<42x16000xi32, #tpu.memory_space<hbm>> -> memref<1x16000xi32, #tpu.memory_space<hbm>>
    %dma_start3A_47 = tpu.memref_squeeze %dma_start3A_46 : memref<1x16000xi32, #tpu.memory_space<hbm>> -> memref<16000xi32, #tpu.memory_space<hbm>>
    tpu.enqueue_dma source(%dma_start3A_47 : memref<16000xi32, #tpu.memory_space<hbm>>) target(%arg7 : memref<16000xi32, #tpu.memory_space<vmem>>) target_semaphore(%arg9 : memref<!tpu.dma_semaphore, #tpu.memory_space<semaphore_mem>>)
    %dma_start3A_48 = arith.constant 1 : i32
    %dma_start3A_49 = arith.constant 0 : i32
    %dma_start3A_50 = tpu.memref_slice %arg3[%dma_start3A_48, %dma_start3A_49] : memref<42x16000xi32, #tpu.memory_space<hbm>> -> memref<1x16000xi32, #tpu.memory_space<hbm>>
    %dma_start3A_51 = tpu.memref_squeeze %dma_start3A_50 : memref<1x16000xi32, #tpu.memory_space<hbm>> -> memref<16000xi32, #tpu.memory_space<hbm>>
    %dma_start3A_52 = arith.constant 0 : i32
    %dma_start3A_53 = tpu.memref_slice %arg3[%dma_start3A_48, %dma_start3A_52] : memref<42x16000xi32, #tpu.memory_space<hbm>> -> memref<1x16000xi32, #tpu.memory_space<hbm>>
    %dma_start3A_54 = tpu.memref_squeeze %dma_start3A_53 : memref<1x16000xi32, #tpu.memory_space<hbm>> -> memref<16000xi32, #tpu.memory_space<hbm>>
    tpu.enqueue_dma source(%dma_start3A_54 : memref<16000xi32, #tpu.memory_space<hbm>>) target(%arg8 : memref<16000xi32, #tpu.memory_space<vmem>>) target_semaphore(%arg10 : memref<!tpu.dma_semaphore, #tpu.memory_space<semaphore_mem>>)
    %scan3A_55 = arith.constant 0 : i32
    %scan3A_56 = arith.constant 0 : i32
    %scan3A_57 = arith.constant 20 : i32
    %scan3A_58 = arith.addi %scan3A_56, %scan3A_57 : i32
    %scan3A_59 = arith.constant 1 : i32
    %scan3A_60 = scf.for %scan3A_76 = %scan3A_56 to %scan3A_58 step %scan3A_59 iter_args(%scan3A_77 = %scan3A_55) -> (i32)  : i32 {
      %mul3A_78 = arith.constant 2 : i32
      %mul3A_79 = arith.muli %mul3A_78, %scan3A_76 : i32
      %dma_wait3A_80 = arith.constant 0 : i32
      %dma_wait3A_81 = arith.constant 0 : i32
      %dma_wait3A_82 = tpu.memref_slice %arg3[%dma_wait3A_80, %dma_wait3A_81] : memref<42x16000xi32, #tpu.memory_space<hbm>> -> memref<1x16000xi32, #tpu.memory_space<hbm>>
      %dma_wait3A_83 = tpu.memref_squeeze %dma_wait3A_82 : memref<1x16000xi32, #tpu.memory_space<hbm>> -> memref<16000xi32, #tpu.memory_space<hbm>>
      %dma_wait3A_84 = arith.constant 0 : i32
      %dma_wait3A_85 = tpu.memref_slice %arg3[%dma_wait3A_80, %dma_wait3A_84] : memref<42x16000xi32, #tpu.memory_space<hbm>> -> memref<1x16000xi32, #tpu.memory_space<hbm>>
      %dma_wait3A_86 = tpu.memref_squeeze %dma_wait3A_85 : memref<1x16000xi32, #tpu.memory_space<hbm>> -> memref<16000xi32, #tpu.memory_space<hbm>>
      tpu.wait_dma2 semaphore(%arg9 : memref<!tpu.dma_semaphore, #tpu.memory_space<semaphore_mem>>) src(%dma_wait3A_86 : memref<16000xi32, #tpu.memory_space<hbm>>) dst(%arg7 : memref<16000xi32, #tpu.memory_space<vmem>>)
      %parallel_loop3A_87 = arith.constant 0 : i32
      %parallel_loop3A_88 = arith.constant 500 : i32
      %parallel_loop3A_89 = arith.constant 1 : i32
      scf.for %parallel_loop3A_117 = %parallel_loop3A_87 to %parallel_loop3A_88 step %parallel_loop3A_89  : i32 {
        %parallel_loop3A_118 = arith.constant 16 : i32
        %parallel_loop3A_119 = arith.muli %parallel_loop3A_117, %parallel_loop3A_118 : i32
        %parallel_loop3A_120 = arith.index_cast %parallel_loop3A_119 : i32 to index
        %parallel_loop3A_121 = tpu.vector_load %arg7[%parallel_loop3A_120] {strides = array<i32>} : memref<16000xi32, #tpu.memory_space<vmem>>, vector<16xi32>,
        %parallel_loop3A_122 = arith.constant 65535 : i32
        %parallel_loop3A_123 = vector.broadcast %parallel_loop3A_122 : i32 to vector<16xi32>
        %parallel_loop3A_124 = arith.andi %parallel_loop3A_121, %parallel_loop3A_123 : vector<16xi32>
        %parallel_loop3A_125 = arith.constant 16 : i32
        %parallel_loop3A_126 = vector.broadcast %parallel_loop3A_125 : i32 to vector<16xi32>
        %parallel_loop3A_127 = arith.shrui %parallel_loop3A_121, %parallel_loop3A_126 : vector<16xi32>
        %parallel_loop3A_128 = arith.constant 8000 : i32
        %parallel_loop3A_129 = arith.addi %parallel_loop3A_128, %parallel_loop3A_119 : i32
        %parallel_loop3A_130 = arith.index_cast %parallel_loop3A_129 : i32 to index
        %parallel_loop3A_131 = tpu.vector_load %arg7[%parallel_loop3A_130] {strides = array<i32>} : memref<16000xi32, #tpu.memory_space<vmem>>, vector<16xi32>,
        %parallel_loop3A_132 = vector.bitcast %parallel_loop3A_131 : vector<16xi32> to vector<16xf32>
        %parallel_loop3A_133 = arith.constant 0 : i32
        %parallel_loop3A_134 = vector.broadcast %parallel_loop3A_133 : i32 to vector<16xi32>
        %parallel_loop3A_135 = arith.addi %parallel_loop3A_124, %parallel_loop3A_134 : vector<16xi32>
        %parallel_loop3A_136 = tpu.vector_load_idx %arg6[%parallel_loop3A_135] : memref<40000xf32, #tpu.memory_space<vmem>>[vector<16xi32>], vector<16xf32>,
        %parallel_loop3A_137 = arith.constant 0 : i32
        %parallel_loop3A_138 = vector.broadcast %parallel_loop3A_137 : i32 to vector<16xi32>
        %parallel_loop3A_139 = arith.addi %parallel_loop3A_127, %parallel_loop3A_138 : vector<16xi32>
        %parallel_loop3A_140 = arith.mulf %parallel_loop3A_136, %parallel_loop3A_132 : vector<16xf32>
        tpu.vector_store_idx %arg5[%parallel_loop3A_139], %parallel_loop3A_140 {add = true} : memref<40000xf32, #tpu.memory_space<vmem>>[vector<16xi32>], vector<16xf32>,
        %parallel_loop3A_141 = arith.constant 10000 : i32
        %parallel_loop3A_142 = vector.broadcast %parallel_loop3A_141 : i32 to vector<16xi32>
        %parallel_loop3A_143 = arith.addi %parallel_loop3A_124, %parallel_loop3A_142 : vector<16xi32>
        %parallel_loop3A_144 = tpu.vector_load_idx %arg6[%parallel_loop3A_143] : memref<40000xf32, #tpu.memory_space<vmem>>[vector<16xi32>], vector<16xf32>,
        %parallel_loop3A_145 = arith.constant 10000 : i32
        %parallel_loop3A_146 = vector.broadcast %parallel_loop3A_145 : i32 to vector<16xi32>
        %parallel_loop3A_147 = arith.addi %parallel_loop3A_127, %parallel_loop3A_146 : vector<16xi32>
        %parallel_loop3A_148 = arith.mulf %parallel_loop3A_144, %parallel_loop3A_132 : vector<16xf32>
        tpu.vector_store_idx %arg5[%parallel_loop3A_147], %parallel_loop3A_148 {add = true} : memref<40000xf32, #tpu.memory_space<vmem>>[vector<16xi32>], vector<16xf32>,
        %parallel_loop3A_149 = arith.constant 20000 : i32
        %parallel_loop3A_150 = vector.broadcast %parallel_loop3A_149 : i32 to vector<16xi32>
        %parallel_loop3A_151 = arith.addi %parallel_loop3A_124, %parallel_loop3A_150 : vector<16xi32>
        %parallel_loop3A_152 = tpu.vector_load_idx %arg6[%parallel_loop3A_151] : memref<40000xf32, #tpu.memory_space<vmem>>[vector<16xi32>], vector<16xf32>,
        %parallel_loop3A_153 = arith.constant 20000 : i32
        %parallel_loop3A_154 = vector.broadcast %parallel_loop3A_153 : i32 to vector<16xi32>
        %parallel_loop3A_155 = arith.addi %parallel_loop3A_127, %parallel_loop3A_154 : vector<16xi32>
        %parallel_loop3A_156 = arith.mulf %parallel_loop3A_152, %parallel_loop3A_132 : vector<16xf32>
        tpu.vector_store_idx %arg5[%parallel_loop3A_155], %parallel_loop3A_156 {add = true} : memref<40000xf32, #tpu.memory_space<vmem>>[vector<16xi32>], vector<16xf32>,
        %parallel_loop3A_157 = arith.constant 30000 : i32
        %parallel_loop3A_158 = vector.broadcast %parallel_loop3A_157 : i32 to vector<16xi32>
        %parallel_loop3A_159 = arith.addi %parallel_loop3A_124, %parallel_loop3A_158 : vector<16xi32>
        %parallel_loop3A_160 = tpu.vector_load_idx %arg6[%parallel_loop3A_159] : memref<40000xf32, #tpu.memory_space<vmem>>[vector<16xi32>], vector<16xf32>,
        %parallel_loop3A_161 = arith.constant 30000 : i32
        %parallel_loop3A_162 = vector.broadcast %parallel_loop3A_161 : i32 to vector<16xi32>
        %parallel_loop3A_163 = arith.addi %parallel_loop3A_127, %parallel_loop3A_162 : vector<16xi32>
        %parallel_loop3A_164 = arith.mulf %parallel_loop3A_160, %parallel_loop3A_132 : vector<16xf32>
        tpu.vector_store_idx %arg5[%parallel_loop3A_163], %parallel_loop3A_164 {add = true} : memref<40000xf32, #tpu.memory_space<vmem>>[vector<16xi32>], vector<16xf32>,
      } {sc.loop_unroll_factor = 8 : i64, sc.parallel_access}
      %add3A_90 = arith.constant 2 : i32
      %add3A_91 = arith.addi %mul3A_79, %add3A_90 : i32
      %dma_start3A_92 = arith.constant 0 : i32
      %dma_start3A_93 = tpu.memref_slice %arg3[%add3A_91, %dma_start3A_92] : memref<42x16000xi32, #tpu.memory_space<hbm>> -> memref<1x16000xi32, #tpu.memory_space<hbm>>
      %dma_start3A_94 = tpu.memref_squeeze %dma_start3A_93 : memref<1x16000xi32, #tpu.memory_space<hbm>> -> memref<16000xi32, #tpu.memory_space<hbm>>
      %dma_start3A_95 = arith.constant 0 : i32
      %dma_start3A_96 = tpu.memref_slice %arg3[%add3A_91, %dma_start3A_95] : memref<42x16000xi32, #tpu.memory_space<hbm>> -> memref<1x16000xi32, #tpu.memory_space<hbm>>
      %dma_start3A_97 = tpu.memref_squeeze %dma_start3A_96 : memref<1x16000xi32, #tpu.memory_space<hbm>> -> memref<16000xi32, #tpu.memory_space<hbm>>
      tpu.enqueue_dma source(%dma_start3A_97 : memref<16000xi32, #tpu.memory_space<hbm>>) target(%arg7 : memref<16000xi32, #tpu.memory_space<vmem>>) target_semaphore(%arg9 : memref<!tpu.dma_semaphore, #tpu.memory_space<semaphore_mem>>)
      %dma_wait3A_98 = arith.constant 0 : i32
      %dma_wait3A_99 = arith.constant 0 : i32
      %dma_wait3A_100 = tpu.memref_slice %arg3[%dma_wait3A_98, %dma_wait3A_99] : memref<42x16000xi32, #tpu.memory_space<hbm>> -> memref<1x16000xi32, #tpu.memory_space<hbm>>
      %dma_wait3A_101 = tpu.memref_squeeze %dma_wait3A_100 : memref<1x16000xi32, #tpu.memory_space<hbm>> -> memref<16000xi32, #tpu.memory_space<hbm>>
      %dma_wait3A_102 = arith.constant 0 : i32
      %dma_wait3A_103 = tpu.memref_slice %arg3[%dma_wait3A_98, %dma_wait3A_102] : memref<42x16000xi32, #tpu.memory_space<hbm>> -> memref<1x16000xi32, #tpu.memory_space<hbm>>
      %dma_wait3A_104 = tpu.memref_squeeze %dma_wait3A_103 : memref<1x16000xi32, #tpu.memory_space<hbm>> -> memref<16000xi32, #tpu.memory_space<hbm>>
      tpu.wait_dma2 semaphore(%arg10 : memref<!tpu.dma_semaphore, #tpu.memory_space<semaphore_mem>>) src(%dma_wait3A_104 : memref<16000xi32, #tpu.memory_space<hbm>>) dst(%arg8 : memref<16000xi32, #tpu.memory_space<vmem>>)
      %parallel_loop3A_105 = arith.constant 0 : i32
      %parallel_loop3A_106 = arith.constant 500 : i32
      %parallel_loop3A_107 = arith.constant 1 : i32
      scf.for %parallel_loop3A_117 = %parallel_loop3A_105 to %parallel_loop3A_106 step %parallel_loop3A_107  : i32 {
        %parallel_loop3A_118 = arith.constant 16 : i32
        %parallel_loop3A_119 = arith.muli %parallel_loop3A_117, %parallel_loop3A_118 : i32
        %parallel_loop3A_120 = arith.index_cast %parallel_loop3A_119 : i32 to index
        %parallel_loop3A_121 = tpu.vector_load %arg8[%parallel_loop3A_120] {strides = array<i32>} : memref<16000xi32, #tpu.memory_space<vmem>>, vector<16xi32>,
        %parallel_loop3A_122 = arith.constant 65535 : i32
        %parallel_loop3A_123 = vector.broadcast %parallel_loop3A_122 : i32 to vector<16xi32>
        %parallel_loop3A_124 = arith.andi %parallel_loop3A_121, %parallel_loop3A_123 : vector<16xi32>
        %parallel_loop3A_125 = arith.constant 16 : i32
        %parallel_loop3A_126 = vector.broadcast %parallel_loop3A_125 : i32 to vector<16xi32>
        %parallel_loop3A_127 = arith.shrui %parallel_loop3A_121, %parallel_loop3A_126 : vector<16xi32>
        %parallel_loop3A_128 = arith.constant 8000 : i32
        %parallel_loop3A_129 = arith.addi %parallel_loop3A_128, %parallel_loop3A_119 : i32
        %parallel_loop3A_130 = arith.index_cast %parallel_loop3A_129 : i32 to index
        %parallel_loop3A_131 = tpu.vector_load %arg8[%parallel_loop3A_130] {strides = array<i32>} : memref<16000xi32, #tpu.memory_space<vmem>>, vector<16xi32>,
        %parallel_loop3A_132 = vector.bitcast %parallel_loop3A_131 : vector<16xi32> to vector<16xf32>
        %parallel_loop3A_133 = arith.constant 0 : i32
        %parallel_loop3A_134 = vector.broadcast %parallel_loop3A_133 : i32 to vector<16xi32>
        %parallel_loop3A_135 = arith.addi %parallel_loop3A_124, %parallel_loop3A_134 : vector<16xi32>
        %parallel_loop3A_136 = tpu.vector_load_idx %arg6[%parallel_loop3A_135] : memref<40000xf32, #tpu.memory_space<vmem>>[vector<16xi32>], vector<16xf32>,
        %parallel_loop3A_137 = arith.constant 0 : i32
        %parallel_loop3A_138 = vector.broadcast %parallel_loop3A_137 : i32 to vector<16xi32>
        %parallel_loop3A_139 = arith.addi %parallel_loop3A_127, %parallel_loop3A_138 : vector<16xi32>
        %parallel_loop3A_140 = arith.mulf %parallel_loop3A_136, %parallel_loop3A_132 : vector<16xf32>
        tpu.vector_store_idx %arg5[%parallel_loop3A_139], %parallel_loop3A_140 {add = true} : memref<40000xf32, #tpu.memory_space<vmem>>[vector<16xi32>], vector<16xf32>,
        %parallel_loop3A_141 = arith.constant 10000 : i32
        %parallel_loop3A_142 = vector.broadcast %parallel_loop3A_141 : i32 to vector<16xi32>
        %parallel_loop3A_143 = arith.addi %parallel_loop3A_124, %parallel_loop3A_142 : vector<16xi32>
        %parallel_loop3A_144 = tpu.vector_load_idx %arg6[%parallel_loop3A_143] : memref<40000xf32, #tpu.memory_space<vmem>>[vector<16xi32>], vector<16xf32>,
        %parallel_loop3A_145 = arith.constant 10000 : i32
        %parallel_loop3A_146 = vector.broadcast %parallel_loop3A_145 : i32 to vector<16xi32>
        %parallel_loop3A_147 = arith.addi %parallel_loop3A_127, %parallel_loop3A_146 : vector<16xi32>
        %parallel_loop3A_148 = arith.mulf %parallel_loop3A_144, %parallel_loop3A_132 : vector<16xf32>
        tpu.vector_store_idx %arg5[%parallel_loop3A_147], %parallel_loop3A_148 {add = true} : memref<40000xf32, #tpu.memory_space<vmem>>[vector<16xi32>], vector<16xf32>,
        %parallel_loop3A_149 = arith.constant 20000 : i32
        %parallel_loop3A_150 = vector.broadcast %parallel_loop3A_149 : i32 to vector<16xi32>
        %parallel_loop3A_151 = arith.addi %parallel_loop3A_124, %parallel_loop3A_150 : vector<16xi32>
        %parallel_loop3A_152 = tpu.vector_load_idx %arg6[%parallel_loop3A_151] : memref<40000xf32, #tpu.memory_space<vmem>>[vector<16xi32>], vector<16xf32>,
        %parallel_loop3A_153 = arith.constant 20000 : i32
        %parallel_loop3A_154 = vector.broadcast %parallel_loop3A_153 : i32 to vector<16xi32>
        %parallel_loop3A_155 = arith.addi %parallel_loop3A_127, %parallel_loop3A_154 : vector<16xi32>
        %parallel_loop3A_156 = arith.mulf %parallel_loop3A_152, %parallel_loop3A_132 : vector<16xf32>
        tpu.vector_store_idx %arg5[%parallel_loop3A_155], %parallel_loop3A_156 {add = true} : memref<40000xf32, #tpu.memory_space<vmem>>[vector<16xi32>], vector<16xf32>,
        %parallel_loop3A_157 = arith.constant 30000 : i32
        %parallel_loop3A_158 = vector.broadcast %parallel_loop3A_157 : i32 to vector<16xi32>
        %parallel_loop3A_159 = arith.addi %parallel_loop3A_124, %parallel_loop3A_158 : vector<16xi32>
        %parallel_loop3A_160 = tpu.vector_load_idx %arg6[%parallel_loop3A_159] : memref<40000xf32, #tpu.memory_space<vmem>>[vector<16xi32>], vector<16xf32>,
        %parallel_loop3A_161 = arith.constant 30000 : i32
        %parallel_loop3A_162 = vector.broadcast %parallel_loop3A_161 : i32 to vector<16xi32>
        %parallel_loop3A_163 = arith.addi %parallel_loop3A_127, %parallel_loop3A_162 : vector<16xi32>
        %parallel_loop3A_164 = arith.mulf %parallel_loop3A_160, %parallel_loop3A_132 : vector<16xf32>
        tpu.vector_store_idx %arg5[%parallel_loop3A_163], %parallel_loop3A_164 {add = true} : memref<40000xf32, #tpu.memory_space<vmem>>[vector<16xi32>], vector<16xf32>,
      } {sc.loop_unroll_factor = 8 : i64, sc.parallel_access}
      %add3A_108 = arith.constant 3 : i32
      %add3A_109 = arith.addi %mul3A_79, %add3A_108 : i32
      %dma_start3A_110 = arith.constant 0 : i32
      %dma_start3A_111 = tpu.memref_slice %arg3[%add3A_109, %dma_start3A_110] : memref<42x16000xi32, #tpu.memory_space<hbm>> -> memref<1x16000xi32, #tpu.memory_space<hbm>>
      %dma_start3A_112 = tpu.memref_squeeze %dma_start3A_111 : memref<1x16000xi32, #tpu.memory_space<hbm>> -> memref<16000xi32, #tpu.memory_space<hbm>>
      %dma_start3A_113 = arith.constant 0 : i32
      %dma_start3A_114 = tpu.memref_slice %arg3[%add3A_109, %dma_start3A_113] : memref<42x16000xi32, #tpu.memory_space<hbm>> -> memref<1x16000xi32, #tpu.memory_space<hbm>>
      %dma_start3A_115 = tpu.memref_squeeze %dma_start3A_114 : memref<1x16000xi32, #tpu.memory_space<hbm>> -> memref<16000xi32, #tpu.memory_space<hbm>>
      tpu.enqueue_dma source(%dma_start3A_115 : memref<16000xi32, #tpu.memory_space<hbm>>) target(%arg8 : memref<16000xi32, #tpu.memory_space<vmem>>) target_semaphore(%arg10 : memref<!tpu.dma_semaphore, #tpu.memory_space<semaphore_mem>>)
      %scan3A_116 = arith.constant 0 : i32
      scf.yield %scan3A_116 : i32
    }
    %scan3A_61 = arith.constant 20 : i32
    %dma_wait3A_62 = arith.constant 0 : i32
    %dma_wait3A_63 = arith.constant 0 : i32
    %dma_wait3A_64 = tpu.memref_slice %arg3[%dma_wait3A_62, %dma_wait3A_63] : memref<42x16000xi32, #tpu.memory_space<hbm>> -> memref<1x16000xi32, #tpu.memory_space<hbm>>
    %dma_wait3A_65 = tpu.memref_squeeze %dma_wait3A_64 : memref<1x16000xi32, #tpu.memory_space<hbm>> -> memref<16000xi32, #tpu.memory_space<hbm>>
    %dma_wait3A_66 = arith.constant 0 : i32
    %dma_wait3A_67 = tpu.memref_slice %arg3[%dma_wait3A_62, %dma_wait3A_66] : memref<42x16000xi32, #tpu.memory_space<hbm>> -> memref<1x16000xi32, #tpu.memory_space<hbm>>
    %dma_wait3A_68 = tpu.memref_squeeze %dma_wait3A_67 : memref<1x16000xi32, #tpu.memory_space<hbm>> -> memref<16000xi32, #tpu.memory_space<hbm>>
    tpu.wait_dma2 semaphore(%arg9 : memref<!tpu.dma_semaphore, #tpu.memory_space<semaphore_mem>>) src(%dma_wait3A_68 : memref<16000xi32, #tpu.memory_space<hbm>>) dst(%arg7 : memref<16000xi32, #tpu.memory_space<vmem>>)
    %dma_wait3A_69 = arith.constant 0 : i32
    %dma_wait3A_70 = arith.constant 0 : i32
    %dma_wait3A_71 = tpu.memref_slice %arg3[%dma_wait3A_69, %dma_wait3A_70] : memref<42x16000xi32, #tpu.memory_space<hbm>> -> memref<1x16000xi32, #tpu.memory_space<hbm>>
    %dma_wait3A_72 = tpu.memref_squeeze %dma_wait3A_71 : memref<1x16000xi32, #tpu.memory_space<hbm>> -> memref<16000xi32, #tpu.memory_space<hbm>>
    %dma_wait3A_73 = arith.constant 0 : i32
    %dma_wait3A_74 = tpu.memref_slice %arg3[%dma_wait3A_69, %dma_wait3A_73] : memref<42x16000xi32, #tpu.memory_space<hbm>> -> memref<1x16000xi32, #tpu.memory_space<hbm>>
    %dma_wait3A_75 = tpu.memref_squeeze %dma_wait3A_74 : memref<1x16000xi32, #tpu.memory_space<hbm>> -> memref<16000xi32, #tpu.memory_space<hbm>>
    tpu.wait_dma2 semaphore(%arg10 : memref<!tpu.dma_semaphore, #tpu.memory_space<semaphore_mem>>) src(%dma_wait3A_75 : memref<16000xi32, #tpu.memory_space<hbm>>) dst(%arg8 : memref<16000xi32, #tpu.memory_space<vmem>>)
    "tpu.region"() ({
      %run_scoped3A = tpu.sem_alloc : memref<!tpu.dma_semaphore, #tpu.memory_space<semaphore_mem>>
      %dma_start3A_76 = tpu.memref_slice %arg4[%mul3A_2] : memref<1280000xf32, #tpu.memory_space<hbm>> -> memref<40000xf32, #tpu.memory_space<hbm>>
      %dma_start3A_77 = tpu.memref_slice %arg4[%mul3A_2] : memref<1280000xf32, #tpu.memory_space<hbm>> -> memref<40000xf32, #tpu.memory_space<hbm>>
      tpu.enqueue_dma source(%arg5 : memref<40000xf32, #tpu.memory_space<vmem>>) target(%dma_start3A_77 : memref<40000xf32, #tpu.memory_space<hbm>>) target_semaphore(%run_scoped3A : memref<!tpu.dma_semaphore, #tpu.memory_space<semaphore_mem>>)
      %dma_wait3A_78 = tpu.memref_slice %arg4[%mul3A_2] : memref<1280000xf32, #tpu.memory_space<hbm>> -> memref<40000xf32, #tpu.memory_space<hbm>>
      %dma_wait3A_79 = tpu.memref_slice %arg4[%mul3A_2] : memref<1280000xf32, #tpu.memory_space<hbm>> -> memref<40000xf32, #tpu.memory_space<hbm>>
      tpu.wait_dma2 semaphore(%run_scoped3A : memref<!tpu.dma_semaphore, #tpu.memory_space<semaphore_mem>>) src(%arg5 : memref<40000xf32, #tpu.memory_space<vmem>>) dst(%dma_wait3A_79 : memref<40000xf32, #tpu.memory_space<hbm>>)
      tpu.yield
    }) : () -> ()
    return
  }
}

</mosaic_0001>

<sc_bundles>
// kernel: kernel.3.cloned.1.call-start
scs
__scs_entry_jumppad:
0x0: {  	(pc) =	sbr.rel $0x88, $3  }
0x1: {  	(tag) =	ssettag $0x0;
	lr =	simm.s32 $0x1  }
0x2: {  	[smem:$0x3F9E] =	sst lr;
	_ =	strace $0xD0000000  }
0x3: {  	_ = 	snop  }
0x4: {  	_ = 	snop  }
0x5: {  	_ = 	snop  }
0x6: {  	_ = 	snop  }
0x7: {  	_ = 	snop  }
__scs_overlays_trampoline_lowered:
0x8: {  	[smem:$0x3FAD] =	sst s0  }
0x9: {  	[smem:$0x3FAE] =	sst s1  }
0xa: {  	[smem:$0x3FAF] =	sst s2  }
0xb: {  	[smem:$0x3FB0] =	sst s3  }
0xc: {  	[smem:$0x3FB1] =	sst s4  }
0xd: {  	[smem:$0x3FB2] =	sst s5  }
0xe: {  	[smem:$0x3FB3] =	sst s6  }
0xf: {  	[smem:$0x3FB4] =	sst s7  }
0x10: {  	[smem:$0x3FB5] =	sst s8  }
0x11: {  	[smem:$0x3FB6] =	sst s9;
	s0 =	simm.s32 @!p0 $0x0  }
0x12: {  	s1 =	sld [smem:$0x3F9C];
	s0 =	simm.s32 @p0 $0x1  }
0x13: {  	[smem:$0x3FB7] =	sst s0;
	s0 =	simm.s32 @!p1 $0x0  }
0x14: {  	s2 =	sld [smem:$0x3F9B];
	s0 =	simm.s32 @p1 $0x1  }
0x15: {  	[smem:$0x3FB8] =	sst s0;
	s0 =	simm.s32 @!p2 $0x0  }
0x16: {  	s3 =	sld [smem:$0x3FDB];
	s0 =	simm.s32 @p2 $0x1  }
0x17: {  	s4 =	simm.s32 $0x1BF5;
	[smem:$0x3FBA] =	sst s0  }
0x18: {  	s0 =	sld [smem:$0x3F9D];
	_ =	swait.ge [sflag:s4], $0x0  }
0x19: {  	s7 =	sld [smem:$0x3F9E]  }
0x1a: {  	s8 =	sadd.s32 $0xFFFFE003, lr  }
0x1b: {  	s9 =	sadd.s32 $0xFFFFFEF7, lr;
	s5 =	simm.s32 $0xFFFFFFFF;
	p2 =	slt.u32 s8, $0xFFFFF086  }
0x1c: {  	p1 =	slt.u32 s9, $0xF7A;
	s5 =	simm.s32 @!p2 $0x0  }
0x1d: {  	s5 =	simm.s32 @p1 $0x1;
	p0 =	seq.s32 s7, s2  }
0x1e: {  	s7 =	smul.u32 @!p0 $0xF7A, s2;
	p2 =	seq.s32 @!p0 s5, $0x0  }
0x1f: {  	s9 =	smul.u32 $0xF7A, s1;
	s8 =	simm.s32 @!p0 $0x1BF5;
	p2 =	por !p2, p0  }
0x20: {  	[sflag:s8] =	ssyncset.s32 @!p0 $0xFFFFF086;
	s6 =	sadd.s32 @!p0 s3, s7;
	s7 =	simm.s32 @!p0 $0x108  }
0x21: {  	s3 =	sadd.s32 s3, s9;
	s6 =	sadd.s32 @!p0 $0x88, s6;
	s7 =	simm.s32 @p2 $0x1082  }
0x22: {  	[simem:s7], [sflag:s8] =	dma.local @!p0 [hbm:s6], $0xF7A  }
0x23: {  	s9 =	sor.u32 $0xD0000000, s2;
	s6 =	simm.s32 $0x108;
	_ =	swait.ge @!p0 [sflag:s8], $0x0  }
0x24: {  	s3 =	sadd.s32 $0x88, s3;
	s6 =	simm.s32 @!p1 $0x1082;
	[sflag:s4] =	ssyncset.s32 $0xFFFFF086  }
0x25: {  	[simem:s6], [sflag:s4] =	dma.local [hbm:s3], $0xF7A  }
0x26: {  	[smem:$0x3F9E] =	sst s1;
	(tag) =	ssettag s2;
	_ =	strace s9  }
0x27: {  	s1 =	sld [smem:$0x3FAE]  }
0x28: {  	s2 =	sld [smem:$0x3FAF]  }
0x29: {  	s4 =	sld [smem:$0x3FB1]  }
0x2a: {  	p0 =	seq.s32 s5, $0x0;
	s5 =	sld [smem:$0x3FB2]  }
0x2b: {  	s6 =	sld [smem:$0x3FB3]  }
0x2c: {  	s7 =	sld [smem:$0x3FB4]  }
0x2d: {  	s3 =	simm.s32 $0x108;
	s8 =	sld [smem:$0x3FB5]  }
0x2e: {  	s3 =	simm.s32 @!p0 $0x1082;
	s9 =	sld [smem:$0x3FB6]  }
0x2f: {  	lr =	sadd.s32 s0, s3;
	s0 =	sld [smem:$0x3FAD]  }
0x30: {  	s3 =	sld [smem:$0x3FB0]  }
0x31: {  	[smem:$0x3FB9] =	sst s10  }
0x32: {  	s10 =	sld [smem:$0x3FB7];
	_ =	sdelay $0x3  }
0x33: {  	p0 =	seq.s32 s10, $0x1;
	s10 =	sld [smem:$0x3FB9];
	_ =	sdelay $0x3  }
0x34: {  	[smem:$0x3FB9] =	sst s10  }
0x35: {  	s10 =	sld [smem:$0x3FB8];
	_ =	sdelay $0x3  }
0x36: {  	p1 =	seq.s32 s10, $0x1;
	s10 =	sld [smem:$0x3FB9];
	_ =	sdelay $0x3  }
0x37: {  	[smem:$0x3FB9] =	sst s10  }
0x38: {  	s10 =	sld [smem:$0x3FBA]  }
0x39: {  	_ = 	snop;
	(pc) =	sbr.ind lr, $3  }
0x3a: {  	_ = 	snop  }
0x3b: {  	_ = 	snop  }
0x3c: {  	p2 =	seq.s32 s10, $0x1;
	s10 =	sld [smem:$0x3FB9]  }
0x3d: {  	_ =	shalt  }
0x3e: {  	_ =	shalt  }
0x3f: {  	_ =	shalt  }
0x40: {  	_ =	shalt  }
0x41: {  	_ =	shalt  }
0x42: {  	_ =	shalt  }
0x43: {  	_ =	shalt  }
0x44: {  	_ =	shalt  }
0x45: {  	_ =	shalt  }
0x46: {  	_ =	shalt  }
0x47: {  	_ =	shalt  }
0x48: {  	_ =	shalt  }
0x49: {  	_ =	shalt  }
0x4a: {  	_ =	shalt  }
0x4b: {  	_ =	shalt  }
0x4c: {  	_ =	shalt  }
0x4d: {  	_ =	shalt  }
0x4e: {  	_ =	shalt  }
0x4f: {  	_ =	shalt  }
0x50: {  	_ =	shalt  }
0x51: {  	_ =	shalt  }
0x52: {  	_ =	shalt  }
0x53: {  	_ =	shalt  }
0x54: {  	_ =	shalt  }
0x55: {  	_ =	shalt  }
0x56: {  	_ =	shalt  }
0x57: {  	_ =	shalt  }
0x58: {  	_ =	shalt  }
0x59: {  	_ =	shalt  }
0x5a: {  	_ =	shalt  }
0x5b: {  	_ =	shalt  }
0x5c: {  	_ =	shalt  }
0x5d: {  	_ =	shalt  }
0x5e: {  	_ =	shalt  }
0x5f: {  	_ =	shalt  }
0x60: {  	_ =	shalt  }
0x61: {  	_ =	shalt  }
0x62: {  	_ =	shalt  }
0x63: {  	_ =	shalt  }
0x64: {  	_ =	shalt  }
0x65: {  	_ =	shalt  }
0x66: {  	_ =	shalt  }
0x67: {  	_ =	shalt  }
0x68: {  	_ =	shalt  }
0x69: {  	_ =	shalt  }
0x6a: {  	_ =	shalt  }
0x6b: {  	_ =	shalt  }
0x6c: {  	_ =	shalt  }
0x6d: {  	_ =	shalt  }
0x6e: {  	_ =	shalt  }
0x6f: {  	_ =	shalt  }
0x70: {  	_ =	shalt  }
0x71: {  	_ =	shalt  }
0x72: {  	_ =	shalt  }
0x73: {  	_ =	shalt  }
0x74: {  	_ =	shalt  }
0x75: {  	_ =	shalt  }
0x76: {  	_ =	shalt  }
0x77: {  	_ =	shalt  }
0x78: {  	_ =	shalt  }
0x79: {  	_ =	shalt  }
0x7a: {  	_ =	shalt  }
0x7b: {  	_ =	shalt  }
0x7c: {  	_ =	shalt  }
0x7d: {  	_ =	shalt  }
0x7e: {  	_ =	shalt  }
0x7f: {  	_ =	shalt  }
0x80: {  	_ =	shalt  }
0x81: {  	_ =	shalt  }
0x82: {  	_ =	shalt  }
0x83: {  	_ =	shalt  }
0x84: {  	_ =	shalt  }
0x85: {  	_ =	shalt  }
0x86: {  	_ =	shalt  }
0x87: {  	_ =	shalt  }
.Lfunc_end0:
.L_simem_size_0:
called_computation_lowered:
.L_overlay_start_0:
0x88: {  	s2 =	sld [smem:$0x3FD9]  }
0x89: {  	s3 =	sld [smem:$0x3FFE];
	_ =	sdelay $0x1  }
0x8a: {  	s1 =	srdreg.scid  }
0x8b: {  	s0 =	sand.u32 $0x1, s1  }
0x8c: {  	s17 =	sshll.u32 s0, $0xA;
	s2 =	sadd.s32 s3, s2  }
0x8d: {  	s2 =	sadd.s32 s2, s17  }
0x8e: {  	[smem:$0x3FC5] =	sst s2  }
0x8f: {  	_ = 	snop  }
0x90: {  	s2 =	sld [smem:$0x3FD0];
	(tm) =	ssettm $0x1  }
0x91: {  	s18 =	sld [smem:$0x3FFB];
	_ =	sdelay $0x3  }
0x92: {  	_ =	strace s18  }
0x93: {  	s3 =	sld [smem:$0x3FFC];
	_ =	sdelay $0x3  }
0x94: {  	_ =	strace s3  }
0x95: {  	s3 =	sld [smem:$0x3FFD];
	_ =	sdelay $0x3  }
0x96: {  	_ =	strace s3  }
0x97: {  	_ =	strace $0x8FFFFFFF  }
0x98: {  	s19 =	sld [smem:$0x3FDB];
	_ =	sdelay $0x1  }
0x99: {  	s4 =	simm.s32 $_scs_section_size  }
0x9a: {  	s5 =	simm.s32 $_size__tile_overlayer_lowered;
	s6 =	simm.s32 $_tile_overlayer_lowered  }
0x9b: {  	s22 =	simm.s32 $0x1BFF;
	s21 =	sshll.u32 s6, $0x1;
	s3 =	sadd.s32 s4, s19  }
0x9c: {  	s7 =	simm.s32 $0x0;
	s20 =	sshll.u32 s5, $0x1;
	s5 =	sadd.s32 s21, s3  }
0x9d: {  	[timem:s7], [sflag:s22] =	dma.local [hbm:s5], s20  }
0x9e: {  	_ =	swait.ge [sflag:s22], s20  }
0x9f: {  	s4 =	ssub.s32 $0x0, s20;
	[sflag:s22] =	ssyncset.done $0x0  }
0xa0: {  	[sflag:s22] =	ssyncadd.s32 s4;
	_ =	sdelay $0x1  }
0xa1: {  	s23 =	simm.s32 $0x1B8B  }
0xa2: {  	_ =	swait.ge [sflag:s23], $0x1  }
0xa3: {  	[sflag:s23] =	ssyncset.done $0x0  }
0xa4: {  	s25 =	simm.s32 $0x1B8E;
	s24 =	sld [smem:$0x3FFE];
	[sflag:s23] =	ssyncadd.s32 $0xFFFFFFFF  }
0xa5: {  	s26 =	simm.s32 $execute0_lowered;
	[smem:$0x3FD2] =	sst s25  }
0xa6: {  	s5 =	sshll.u32 s26, $0x1;
	_ =	strace $0x80000046;
	[dreg:$0x1] =	wrdreg $0xFFFFFFFF  }
0xa7: {  	s28 =	simm.s32 $_size_execute0_lowered;
	s3 =	sadd.s32 s3, s5;
	[dreg:$0x0] =	wrdreg $0x0  }
0xa8: {  	s5 =	sshll.u32 s28, $0x1;
	[dreg:$0x2] =	wrdreg s3  }
0xa9: {  	[dreg:$0x3] =	wrdreg s5  }
0xaa: {  	[dreg:$0x4] =	wrdreg $0xC0  }
0xab: {  	_ =	task [dreg:s7], $0x5FFFF  }
0xac: {  	[dreg:$0x1] =	wrdreg $0xFFFFFFFF  }
0xad: {  	[dreg:$0x0] =	wrdreg $0x60  }
0xae: {  	[dreg:$0x2] =	wrdreg s2  }
0xaf: {  	[dreg:$0x3] =	wrdreg s24  }
0xb0: {  	[dreg:$0x4] =	wrdreg $0x9  }
0xb1: {  	_ =	task.clear_ibuf [dreg:s7], $0x5FFFF;
	_ =	strace $0x90000046  }
0xb2: {  	s29 =	simm.s32 $0x9;
	_ =	strace $0x80000048  }
0xb3: {  	_ =	swait.ge [sflag:s29], $0x1  }
0xb4: {  	[sflag:s29] =	ssyncadd.s32 $0xFFFFFFFF  }
0xb5: {  	_ =	strace $0x90000048  }
0xb6: {  	_ =	sfence  }
0xb7: {  	s30 =	sld [smem:$0x0];
	_ =	sdelay $0x2  }
0xb8: {  	s31 =	sshll.u32 s1, $0xD;
	s1 =	sshrl.u32 s1, $0x2  }
0xb9: {  	s3 =	sand.u32 $0x4000, s31;
	s1 =	sadd.s32 s1, s30  }
0xba: {  	s0 =	sor.u32 s3, s0;
	s1 =	sshll.u32 s1, $0x11  }
0xbb: {  	s0 =	sor.u32 s1, s0  }
0xbc: {  	s0 =	sadd.s32 $0x8F2B, s0  }
0xbd: {  	[sflag:s0] =	ssyncadd.remote.s32 $0x1  }
0xbe: {  	_ =	sfence.sel $0xFFFF  }
0xbf: {  	[dreg:$0x0] =	wrdreg $0xFFFFFFFF;
	(pc) =	sbr.abs _section_cstart, $3  }
0xc0: {  	[dreg:$0x1] =	wrdreg $0xFFFFFFFF  }
0xc1: {  	_ =	task.clear_ibuf [dreg:s7], $0x2FFFF;
	_ =	strace $0x9FFFFFFF  }
0xc2: {  	(tm) =	ssettm $0x7FFFFFFF  }
0xc3: {  	_ =	shalt  }
tec
execute0_lowered:
.L_overlay_start_1:
0x0: {  	(tag) =	ssettag $0x1  }
0x1: {  	s4 =	rddreg [dreg:$0x0]  }
0x2: {  	s1 =	srdreg.scid;
	s0 =	stileid.u32  }
0x3: {  	s5 =	rddreg [dreg:$0x1];
	s2 =	simm.s32 $0x0;
	s10 =	simm.s32 $0x400  }
0x4: {  	s11 =	simm.s32 $0x13900;
	s12 =	simm.s32 $0x17780;
	s13 =	simm.s32 $0x1  }
0x5: {  	s14 =	simm.s32 $0x9C80;
	s15 =	simm.s32 $0x2;
	s16 =	simm.s32 $0x0  }
0x6: {  	s3 =	sand.u32 $0x1, s1;
	s6 =	sshll.u32 s0, $0x1;
	s1 =	rddreg [dreg:$0x2]  }
0x7: {  	[smem:$0x7FF] =	sst s2;
	s6 =	sor.u32 s3, s6;
	s7 =	ssub.s32 $0x2, s3  }
0x8: {  	_ =	strace $0x80000047;
	s6 =	smul.u32 $0x1388, s6;
	s8 =	sshrl.u32 s7, $0x1  }
0x9: {  	s3 =	sadd.s32 $0x400, s5;
	s7 =	ssub.s32 s7, s8;
	s8 =	simm.s32 $0x3  }
0xa: {  	s9 =	sadd.s32 s6, s5;
	s4 =	sadd.s32 s4, s6;
	s5 =	sadd.s32 $0x410, s5  }
0xb: {  	v0 =	vimm.f32 $0.0e+00;
	s7 =	smax.u32 s7, $0x1;
	s6 =	sadd.s32 $0x17C00, s9;
	s9 =	simm.s32 $0x80  }
.LBB2_1:
0xc: {  	[tilespmem:s2], [sflag:$0x3] =	stream.linear.gather [hbm4b:s4+s2], $0x9C40, $0x38;
	[tilespmem:$0x1B600] =	vst v63  }
0xd: {  	_ =	swait.ge [sflag:s8], $0x9C40  }
0xe: {  	[sflag:s8] =	ssyncset.done $0x0  }
0xf: {  	s17 =	simm.s32 $0x9CC0;
	[sflag:s8] =	ssyncadd.s32 $0xFFFF63C0  }
0x10: {  	[tilespmem:s17+$0xFFFFFFC0] =	vst v0  }
0x11: {  	[tilespmem:s17+$0x30] =	vst v0  }
0x12: {  	[tilespmem:s17+$0x20] =	vst v0  }
0x13: {  	[tilespmem:s17+$0x10] =	vst v0  }
0x14: {  	[tilespmem:s17+$0x0] =	vst v0  }
0x15: {  	[tilespmem:s17+$0xFFFFFFF0] =	vst v0  }
0x16: {  	s18 =	simm.s32 $0x0;
	[tilespmem:s17+$0xFFFFFFE0] =	vst v0  }
.LBB2_2:
0x17: {  	s18 =	sadd.s32 $0x8, s18;
	[tilespmem:s17+$0xFFFFFFD0] =	vst v0;
	s17 =	sadd.s32 $0x80, s17  }
0x18: {  	[tilespmem:s17+$0xFFFFFFC0] =	vst v0;
	p0 =	slt.u32 s18, $0x9B8  }
0x19: {  	[tilespmem:s17+$0x30] =	vst v0  }
.Ltmp0:
0x1a: {  	[tilespmem:s17+$0x20] =	vst v0;
	(pc) =	sbr.rel @p0 .LBB2_2-.Ltmp0, $4  }
0x1b: {  	[tilespmem:s17+$0x10] =	vst v0  }
0x1c: {  	[tilespmem:s17+$0x0] =	vst v0  }
0x1d: {  	[tilespmem:s17+$0xFFFFFFF0] =	vst v0  }
0x1e: {  	[tilespmem:s17+$0xFFFFFFE0] =	vst v0  }
0x1f: {  	[tilespmem:s17+$0xFFFFFFD0] =	vst v0;
	s17 =	simm.s32 $0x0  }
.LBB2_4:
0x20: {  	p0 =	sne.s32 s17, $0xC0  }
.Ltmp1:
0x21: {  	_ = 	snop;
	(pc) =	sbr.rel @p0 .LBB2_4-.Ltmp1, $3  }
0x22: {  	_ =	sdelay $0x1  }
0x23: {  	s18 =	sshra.s32 s17, $0x2  }
0x24: {  	s17 =	sadd.s32 $0x40, s17;
	[tilespmem:s18+$0x13880] =	vst v0  }
0x25: {  	[tilespmem:s11], [sflag:$0x1] =	stream.strided.gather [hbm4b:s3+s9], $0x3E80, s10, s9, $0x38;
	[tilespmem:$0x1B600] =	vst v63  }
0x26: {  	s17 =	simm.s32 $0x0;
	s18 =	simm.s32 $0x0  }
0x27: {  	[tilespmem:s12], [sflag:$0x2] =	stream.strided.gather [hbm4b:s5+s9], $0x3E80, s10, s9, $0x38;
	[tilespmem:$0x1B600] =	vst v63  }
.LBB2_6:
0x28: {  	_ =	swait.ge [sflag:s13], $0x3E80  }
0x29: {  	[sflag:s13] =	ssyncset.done $0x0  }
0x2a: {  	s19 =	simm.s32 $0x158B0;
	[sflag:s13] =	ssyncadd.s32 $0xFFFFC180  }
0x2b: {  	v5 =	vld [tilespmem:s19+$0xFFFFE0C0]  }
0x2c: {  	v11 =	vld [tilespmem:s19+$0xFFFFE060]  }
0x2d: {  	v12 =	vld [tilespmem:s19+$0xFFFFE070]  }
0x2e: {  	v13 =	vld [tilespmem:s19+$0xFFFFE080]  }
0x2f: {  	v14 =	vld [tilespmem:s19+$0xFFFFE090]  }
0x30: {  	v15 =	vld [tilespmem:s19+$0xFFFFE0A0]  }
0x31: {  	v8 =	vld [tilespmem:s19+$0xFFFFE050]  }
0x32: {  	v17 =	vld [tilespmem:s19+$0xFFFFE0B0]  }
0x33: {  	v2 =	vld [tilespmem:s19+$0xFFFFFF90];
	v16 =	vand.u32 $0xFFFF, v5  }
0x34: {  	v1 =	vld [tilespmem:s19+$0xFFFFFFA0];
	v10 =	vand.u32 $0xFFFF, v11  }
0x35: {  	v18 =	vld [tilespmem:s19+$0x0];
	v6 =	vand.u32 $0xFFFF, v12  }
0x36: {  	v19 =	vand.u32 $0xFFFF, v8;
	v29 =	vshrl.u32 v8, $0x10;
	v8 =	vld [tilespmem:s19+$0xFFFFFFB0]  }
0x37: {  	v3 =	vand.u32 $0xFFFF, v13;
	v33 =	vshrl.u32 v11, $0x10;
	v11 =	vld [tilespmem:s19+$0xFFFFFFE0]  }
0x38: {  	v4 =	vand.u32 $0xFFFF, v14;
	v9 =	vld.idx.msk [tilespmem:v16+s17+$0x0], $0xffff  }
0x39: {  	v7 =	vand.u32 $0xFFFF, v15;
	v20 =	vld.idx.msk [tilespmem:v10+s17+$0x0], $0xffff  }
0x3a: {  	v24 =	vand.u32 $0xFFFF, v17;
	v21 =	vld.idx.msk [tilespmem:v6+s17+$0x0], $0xffff  }
0x3b: {  	v22 =	vshrl.u32 v5, $0x10;
	v27 =	vld.idx.msk [tilespmem:v19+s17+$0x0], $0xffff  }
0x3c: {  	v23 =	vld.idx.msk [tilespmem:v3+s17+$0x0], $0xffff  }
0x3d: {  	v25 =	vld.idx.msk [tilespmem:v4+s17+$0x0], $0xffff  }
0x3e: {  	v26 =	vld.idx.msk [tilespmem:v7+s17+$0x0], $0xffff;
	v9 =	vmul.f32 v9, v18  }
0x3f: {  	v30 =	vld.idx.msk [tilespmem:v24+s17+$0x0], $0xffff  }
0x40: {  	v12 =	vshrl.u32 v12, $0x10;
	v27 =	vmul.f32 v27, v2;
	[tilespmem:v22+s14+$0x0] =	vst.idx.add.f32.msk $0xffff, v9  }
0x41: {  	v5 =	vadd.s32 $0x2710, v16;
	v9 =	vld [tilespmem:s19+$0xFFFFFFD0]  }
0x42: {  	v20 =	vmul.f32 v20, v1;
	[tilespmem:v29+s14+$0x0] =	vst.idx.add.f32.msk $0xffff, v27  }
0x43: {  	v15 =	vshrl.u32 v15, $0x10;
	v21 =	vmul.f32 v21, v8;
	v27 =	vld [tilespmem:s19+$0xFFFFFFF0]  }
0x44: {  	v35 =	vadd.s32 $0x2710, v19;
	[tilespmem:v33+s14+$0x0] =	vst.idx.add.f32.msk $0xffff, v20  }
0x45: {  	v41 =	vadd.s32 $0x2710, v7;
	[tilespmem:v12+s14+$0x0] =	vst.idx.add.f32.msk $0xffff, v21  }
0x46: {  	v14 =	vshrl.u32 v14, $0x10;
	v21 =	vmul.f32 v26, v11;
	v28 =	vld.idx.msk [tilespmem:v5+s17+$0x0], $0xffff  }
0x47: {  	v17 =	vshrl.u32 v17, $0x10;
	v5 =	vld [tilespmem:s19+$0xFFFFFFC0]  }
0x48: {  	[tilespmem:v15+s14+$0x0] =	vst.idx.add.f32.msk $0xffff, v21;
	v21 =	vadd.s32 $0x2710, v6  }
0x49: {  	v31 =	vadd.s32 $0x2710, v22;
	v38 =	vld.idx.msk [tilespmem:v35+s17+$0x0], $0xffff;
	v20 =	vmul.f32 v25, v9  }
0x4a: {  	v32 =	vadd.s32 $0x4E20, v16;
	v26 =	vld.idx.msk [tilespmem:v41+s17+$0x0], $0xffff;
	v36 =	vmul.f32 v30, v27  }
0x4b: {  	v13 =	vshrl.u32 v13, $0x10;
	[tilespmem:v14+s14+$0x0] =	vst.idx.add.f32.msk $0xffff, v20  }
0x4c: {  	v28 =	vmul.f32 v28, v18;
	v20 =	vadd.s32 $0x2710, v10;
	[tilespmem:v17+s14+$0x0] =	vst.idx.add.f32.msk $0xffff, v36  }
0x4d: {  	v42 =	vadd.s32 $0x2710, v24;
	v21 =	vld.idx.msk [tilespmem:v21+s17+$0x0], $0xffff  }
0x4e: {  	v39 =	vadd.s32 $0x2710, v3;
	v23 =	vmul.f32 v23, v5;
	[tilespmem:v31+s14+$0x0] =	vst.idx.add.f32.msk $0xffff, v28  }
0x4f: {  	v44 =	vadd.s32 $0x2710, v12;
	v28 =	vld.idx.msk [tilespmem:v32+s17+$0x0], $0xffff  }
0x50: {  	v49 =	vadd.s32 $0x4E20, v6;
	[tilespmem:v13+s14+$0x0] =	vst.idx.add.f32.msk $0xffff, v23  }
0x51: {  	v23 =	vadd.s32 $0x4E20, v22;
	v20 =	vld.idx.msk [tilespmem:v20+s17+$0x0], $0xffff  }
0x52: {  	v16 =	vadd.s32 $0x7530, v16;
	v31 =	vld.idx.msk [tilespmem:v42+s17+$0x0], $0xffff;
	v21 =	vmul.f32 v21, v8  }
0x53: {  	v43 =	vadd.s32 $0x2710, v33;
	v30 =	vld.idx.msk [tilespmem:v39+s17+$0x0], $0xffff  }
0x54: {  	v40 =	vadd.s32 $0x2710, v29;
	v37 =	vmul.f32 v28, v18;
	[tilespmem:v44+s14+$0x0] =	vst.idx.add.f32.msk $0xffff, v21  }
0x55: {  	v45 =	vadd.s32 $0x2710, v13;
	v25 =	vld.idx.msk [tilespmem:v49+s17+$0x0], $0xffff  }
0x56: {  	[tilespmem:v23+s14+$0x0] =	vst.idx.add.f32.msk $0xffff, v37;
	v23 =	vadd.s32 $0x2710, v4;
	v20 =	vmul.f32 v20, v1  }
0x57: {  	v47 =	vadd.s32 $0x2710, v15;
	v28 =	vmul.f32 v38, v2;
	v16 =	vld.idx.msk [tilespmem:v16+s17+$0x0], $0xffff  }
0x58: {  	v48 =	vadd.s32 $0x4E20, v19;
	[tilespmem:v43+s14+$0x0] =	vst.idx.add.f32.msk $0xffff, v20;
	v20 =	vmul.f32 v30, v5  }
0x59: {  	v22 =	vadd.s32 $0x7530, v22;
	[tilespmem:v40+s14+$0x0] =	vst.idx.add.f32.msk $0xffff, v28  }
0x5a: {  	v55 =	vadd.s32 $0x4E20, v12;
	[tilespmem:v45+s14+$0x0] =	vst.idx.add.f32.msk $0xffff, v20;
	v20 =	vmul.f32 v26, v11  }
0x5b: {  	v6 =	vadd.s32 $0x7530, v6;
	v23 =	vld.idx.msk [tilespmem:v23+s17+$0x0], $0xffff  }
0x5c: {  	v52 =	vadd.s32 $0x4E20, v7;
	v16 =	vmul.f32 v16, v18;
	[tilespmem:v47+s14+$0x0] =	vst.idx.add.f32.msk $0xffff, v20  }
0x5d: {  	v46 =	vadd.s32 $0x2710, v14;
	v25 =	vmul.f32 v25, v8;
	v20 =	vld.idx.msk [tilespmem:v48+s17+$0x0], $0xffff  }
0x5e: {  	[tilespmem:v22+s14+$0x0] =	vst.idx.add.f32.msk $0xffff, v16;
	v22 =	vadd.s32 $0x2710, v17  }
0x5f: {  	v51 =	vadd.s32 $0x4E20, v4;
	[tilespmem:v55+s14+$0x0] =	vst.idx.add.f32.msk $0xffff, v25  }
0x60: {  	v53 =	vadd.s32 $0x4E20, v29;
	v6 =	vld.idx.msk [tilespmem:v6+s17+$0x0], $0xffff;
	v21 =	vmul.f32 v23, v9  }
0x61: {  	v50 =	vmul.f32 v31, v27;
	v18 =	vld.idx.msk [tilespmem:v52+s17+$0x0], $0xffff;
	v23 =	vadd.s32 $0x4E20, v10  }
0x62: {  	v19 =	vadd.s32 $0x7530, v19;
	[tilespmem:v46+s14+$0x0] =	vst.idx.add.f32.msk $0xffff, v21  }
0x63: {  	v21 =	vadd.s32 $0x4E20, v3;
	v20 =	vmul.f32 v20, v2;
	[tilespmem:v22+s14+$0x0] =	vst.idx.add.f32.msk $0xffff, v50  }
0x64: {  	v22 =	vadd.s32 $0x4E20, v24;
	v16 =	vld.idx.msk [tilespmem:v51+s17+$0x0], $0xffff  }
0x65: {  	[tilespmem:v53+s14+$0x0] =	vst.idx.add.f32.msk $0xffff, v20;
	v20 =	vadd.s32 $0x4E20, v15  }
0x66: {  	v57 =	vadd.s32 $0x4E20, v14;
	v23 =	vld.idx.msk [tilespmem:v23+s17+$0x0], $0xffff  }
0x67: {  	v7 =	vadd.s32 $0x7530, v7;
	v59 =	vld.idx.msk [tilespmem:v19+s17+$0x0], $0xffff  }
0x68: {  	v4 =	vadd.s32 $0x7530, v4;
	v18 =	vmul.f32 v18, v11;
	v21 =	vld.idx.msk [tilespmem:v21+s17+$0x0], $0xffff  }
0x69: {  	v54 =	vadd.s32 $0x4E20, v33;
	v22 =	vld.idx.msk [tilespmem:v22+s17+$0x0], $0xffff;
	v16 =	vmul.f32 v16, v9  }
0x6a: {  	v61 =	vadd.s32 $0x7530, v29;
	[tilespmem:v20+s14+$0x0] =	vst.idx.add.f32.msk $0xffff, v18  }
0x6b: {  	v10 =	vadd.s32 $0x7530, v10;
	[tilespmem:v57+s14+$0x0] =	vst.idx.add.f32.msk $0xffff, v16  }
0x6c: {  	v56 =	vadd.s32 $0x4E20, v13;
	v23 =	vmul.f32 v23, v1;
	v7 =	vld.idx.msk [tilespmem:v7+s17+$0x0], $0xffff  }
0x6d: {  	v3 =	vadd.s32 $0x7530, v3;
	v2 =	vmul.f32 v59, v2;
	v4 =	vld.idx.msk [tilespmem:v4+s17+$0x0], $0xffff  }
0x6e: {  	[tilespmem:v54+s14+$0x0] =	vst.idx.add.f32.msk $0xffff, v23;
	v23 =	vadd.s32 $0x4E20, v17  }
0x6f: {  	v60 =	vadd.s32 $0x7530, v24;
	v21 =	vmul.f32 v21, v5;
	[tilespmem:v61+s14+$0x0] =	vst.idx.add.f32.msk $0xffff, v2  }
0x70: {  	v10 =	vld.idx.msk [tilespmem:v10+s17+$0x0], $0xffff  }
0x71: {  	v12 =	vadd.s32 $0x7530, v12;
	v58 =	vmul.f32 v22, v27;
	[tilespmem:v56+s14+$0x0] =	vst.idx.add.f32.msk $0xffff, v21  }
0x72: {  	v20 =	vadd.s32 $0x7530, v33;
	v3 =	vld.idx.msk [tilespmem:v3+s17+$0x0], $0xffff  }
0x73: {  	v62 =	vadd.s32 $0x7530, v14;
	[tilespmem:v23+s14+$0x0] =	vst.idx.add.f32.msk $0xffff, v58  }
0x74: {  	v13 =	vadd.s32 $0x7530, v13;
	v2 =	vmul.f32 v6, v8;
	v63 =	vld.idx.msk [tilespmem:v60+s17+$0x0], $0xffff  }
0x75: {  	v1 =	vmul.f32 v10, v1  }
0x76: {  	[tilespmem:v12+s14+$0x0] =	vst.idx.add.f32.msk $0xffff, v2;
	v2 =	vmul.f32 v4, v9  }
0x77: {  	[tilespmem:v20+s14+$0x0] =	vst.idx.add.f32.msk $0xffff, v1;
	v1 =	vmul.f32 v3, v5  }
0x78: {  	v22 =	vadd.s32 $0x7530, v17;
	[tilespmem:v62+s14+$0x0] =	vst.idx.add.f32.msk $0xffff, v2  }
0x79: {  	s20 =	simm.s32 $0x15930;
	s19 =	simm.s32 $0x0;
	v4 =	vmul.f32 v7, v11;
	v23 =	vadd.s32 $0x7530, v15;
	[tilespmem:v13+s14+$0x0] =	vst.idx.add.f32.msk $0xffff, v1;
	v3 =	vmul.f32 v63, v27  }
.LBB2_7:
0x7a: {  	v7 =	vld [tilespmem:s20+$0xFFFFE0C0]  }
0x7b: {  	v5 =	vld [tilespmem:s20+$0xFFFFE060]  }
0x7c: {  	v6 =	vld [tilespmem:s20+$0xFFFFE070]  }
0x7d: {  	v8 =	vld [tilespmem:s20+$0xFFFFE080]  }
0x7e: {  	v9 =	vld [tilespmem:s20+$0xFFFFE090]  }
0x7f: {  	v10 =	vld [tilespmem:s20+$0xFFFFE0A0]  }
0x80: {  	v12 =	vld [tilespmem:s20+$0xFFFFE0B0]  }
0x81: {  	v13 =	vld [tilespmem:s20+$0xFFFFE050];
	v32 =	vand.u32 $0xFFFF, v7  }
0x82: {  	v42 =	vld [tilespmem:s20+$0x0];
	v11 =	vand.u32 $0xFFFF, v5  }
0x83: {  	v33 =	vshrl.u32 v5, $0x10;
	v14 =	vand.u32 $0xFFFF, v6;
	v5 =	vld [tilespmem:s20+$0xFFFFFF90]  }
0x84: {  	v34 =	vshrl.u32 v6, $0x10;
	v15 =	vand.u32 $0xFFFF, v8;
	v6 =	vld [tilespmem:s20+$0xFFFFFFA0]  }
0x85: {  	s21 =	simm.s32 $0x0;
	v16 =	vand.u32 $0xFFFF, v9;
	v18 =	vand.u32 $0xFFFF, v10;
	v39 =	vshrl.u32 v10, $0x10;
	v10 =	vld [tilespmem:s20+$0xFFFFFFE0]  }
0x86: {  	v37 =	vshrl.u32 v9, $0x10;
	v9 =	vand.u32 $0xFFFF, v13;
	v19 =	vld.idx.msk [tilespmem:v32+s21+$0x0], $0xffff  }
0x87: {  	v27 =	vld.idx.msk [tilespmem:v11+s21+$0x0], $0xffff  }
0x88: {  	v24 =	vand.u32 $0xFFFF, v12;
	v47 =	vld.idx.msk [tilespmem:v14+s21+$0x0], $0xffff  }
0x89: {  	v51 =	vld.idx.msk [tilespmem:v15+s21+$0x0], $0xffff  }
0x8a: {  	v48 =	vshrl.u32 v7, $0x10;
	v53 =	vld.idx.msk [tilespmem:v16+s21+$0x0], $0xffff  }
0x8b: {  	v41 =	vshrl.u32 v12, $0x10;
	v12 =	vld.idx.msk [tilespmem:v9+s21+$0x0], $0xffff  }
0x8c: {  	v7 =	vadd.s32 $0x2710, v32;
	v2 =	vadd.s32 $0x4E20, v37;
	v57 =	vld.idx.msk [tilespmem:v18+s21+$0x0], $0xffff  }
0x8d: {  	v35 =	vshrl.u32 v8, $0x10;
	v43 =	vshrl.u32 v13, $0x10;
	[tilespmem:$0x1FFB0] =	vst v2;
	v2 =	vld.idx.msk [tilespmem:v24+s21+$0x0], $0xffff;
	v8 =	vmul.f32 v19, v42  }
0x8e: {  	v0 =	vadd.s32 $0x2710, v11;
	v59 =	vadd.s32 $0x4E20, v11;
	v29 =	vadd.s32 $0x7530, v11;
	v11 =	vld [tilespmem:s20+$0xFFFFFFF0]  }
0x8f: {  	[tilespmem:v48+s14+$0x0] =	vst.idx.add.f32.msk $0xffff, v8  }
0x90: {  	v20 =	vmul.f32 v12, v5;
	v8 =	vld [tilespmem:s20+$0xFFFFFFC0]  }
0x91: {  	v62 =	vmul.f32 v27, v6;
	v1 =	vld.idx.msk [tilespmem:v7+s21+$0x0], $0xffff  }
0x92: {  	v57 =	vmul.f32 v57, v10;
	[tilespmem:v43+s14+$0x0] =	vst.idx.add.f32.msk $0xffff, v20  }
0x93: {  	v36 =	vadd.s32 $0x2710, v15;
	v19 =	vadd.s32 $0x2710, v48;
	v2 =	vmul.f32 v2, v11;
	[tilespmem:v33+s14+$0x0] =	vst.idx.add.f32.msk $0xffff, v62  }
0x94: {  	v61 =	vadd.s32 $0x4E20, v15;
	v12 =	vadd.s32 $0x7530, v15;
	v15 =	vadd.s32 $0x4E20, v32;
	[tilespmem:v39+s14+$0x0] =	vst.idx.add.f32.msk $0xffff, v57  }
0x95: {  	v40 =	vadd.s32 $0x2710, v18;
	v45 =	vadd.s32 $0x2710, v9;
	[tilespmem:v41+s14+$0x0] =	vst.idx.add.f32.msk $0xffff, v2  }
0x96: {  	v56 =	vadd.s32 $0x4E20, v9;
	v7 =	vadd.s32 $0x7530, v9;
	v9 =	vld [tilespmem:s20+$0xFFFFFFD0];
	v1 =	vmul.f32 v1, v42  }
0x97: {  	[tilespmem:$0x1FFD0] =	vst v7;
	v7 =	vld [tilespmem:s20+$0xFFFFFFB0]  }
0x98: {  	v51 =	vmul.f32 v51, v8;
	[tilespmem:v19+s14+$0x0] =	vst.idx.add.f32.msk $0xffff, v1  }
0x99: {  	v15 =	vld.idx.msk [tilespmem:v15+s21+$0x0], $0xffff  }
0x9a: {  	v30 =	vadd.s32 $0x2710, v14;
	[tilespmem:v35+s14+$0x0] =	vst.idx.add.f32.msk $0xffff, v51  }
0x9b: {  	v58 =	vadd.s32 $0x2710, v41;
	v62 =	vadd.s32 $0x4E20, v48;
	v51 =	vld.idx.msk [tilespmem:v40+s21+$0x0], $0xffff;
	v1 =	vmul.f32 v53, v9  }
0x9c: {  	v28 =	vadd.s32 $0x4E20, v41;
	v47 =	vmul.f32 v47, v7;
	v19 =	vadd.s32 $0x7530, v41;
	v41 =	vld.idx.msk [tilespmem:v45+s21+$0x0], $0xffff  }
0x9d: {  	[tilespmem:v37+s14+$0x0] =	vst.idx.add.f32.msk $0xffff, v1;
	v1 =	vadd.s32 $0x7530, v32  }
0x9e: {  	[tilespmem:v34+s14+$0x0] =	vst.idx.add.f32.msk $0xffff, v47;
	v2 =	vmul.f32 v15, v42  }
0x9f: {  	v44 =	vadd.s32 $0x2710, v24;
	[tilespmem:$0x1FFA0] =	vst v0;
	v30 =	vld.idx.msk [tilespmem:v30+s21+$0x0], $0xffff  }
0xa0: {  	v38 =	vadd.s32 $0x2710, v16;
	[tilespmem:v62+s14+$0x0] =	vst.idx.add.f32.msk $0xffff, v2  }
0xa1: {  	v46 =	vadd.s32 $0x2710, v43;
	v2 =	vld [tilespmem:$0x1FFA0]  }
0xa2: {  	v50 =	vadd.s32 $0x2710, v34;
	v1 =	vld.idx.msk [tilespmem:v1+s21+$0x0], $0xffff  }
0xa3: {  	v60 =	vadd.s32 $0x4E20, v14;
	v45 =	vld.idx.msk [tilespmem:v36+s21+$0x0], $0xffff  }
0xa4: {  	v53 =	vld.idx.msk [tilespmem:v44+s21+$0x0], $0xffff;
	v47 =	vadd.s32 $0x7530, v48;
	v15 =	vmul.f32 v41, v5  }
0xa5: {  	v48 =	vld.idx.msk [tilespmem:v38+s21+$0x0], $0xffff;
	v57 =	vmul.f32 v30, v7  }
0xa6: {  	v52 =	vadd.s32 $0x2710, v35;
	[tilespmem:v46+s14+$0x0] =	vst.idx.add.f32.msk $0xffff, v15  }
0xa7: {  	[tilespmem:v50+s14+$0x0] =	vst.idx.add.f32.msk $0xffff, v57;
	v1 =	vmul.f32 v1, v42  }
0xa8: {  	v55 =	vadd.s32 $0x2710, v39;
	v15 =	vld.idx.msk [tilespmem:v60+s21+$0x0], $0xffff  }
0xa9: {  	[tilespmem:v47+s14+$0x0] =	vst.idx.add.f32.msk $0xffff, v1;
	v1 =	vmul.f32 v45, v8  }
0xaa: {  	v13 =	vadd.s32 $0x4E20, v18;
	v2 =	vld.idx.msk [tilespmem:v2+s21+$0x0], $0xffff  }
0xab: {  	[tilespmem:v52+s14+$0x0] =	vst.idx.add.f32.msk $0xffff, v1;
	v1 =	vmul.f32 v51, v10  }
0xac: {  	v49 =	vadd.s32 $0x2710, v33;
	v60 =	vld.idx.msk [tilespmem:v61+s21+$0x0], $0xffff  }
0xad: {  	[tilespmem:v55+s14+$0x0] =	vst.idx.add.f32.msk $0xffff, v1  }
0xae: {  	v54 =	vadd.s32 $0x2710, v37;
	v1 =	vld.idx.msk [tilespmem:v56+s21+$0x0], $0xffff  }
0xaf: {  	v63 =	vadd.s32 $0x4E20, v16;
	v2 =	vmul.f32 v2, v6;
	v13 =	vld.idx.msk [tilespmem:v13+s21+$0x0], $0xffff  }
0xb0: {  	[tilespmem:v23+s14+$0x0] =	vst.idx.add.f32.msk $0xffff, v4  }
0xb1: {  	[tilespmem:v49+s14+$0x0] =	vst.idx.add.f32.msk $0xffff, v2;
	v2 =	vmul.f32 v48, v9  }
0xb2: {  	v17 =	vadd.s32 $0x4E20, v43;
	v4 =	vld [tilespmem:$0x1FFB0]  }
0xb3: {  	[tilespmem:v54+s14+$0x0] =	vst.idx.add.f32.msk $0xffff, v2  }
0xb4: {  	v31 =	vadd.s32 $0x4E20, v34;
	v61 =	vld.idx.msk [tilespmem:v63+s21+$0x0], $0xffff  }
0xb5: {  	v1 =	vmul.f32 v1, v5;
	_ =	sdelay $0x1  }
0xb6: {  	[tilespmem:v17+s14+$0x0] =	vst.idx.add.f32.msk $0xffff, v1;
	v1 =	vmul.f32 v15, v7  }
0xb7: {  	v0 =	vadd.s32 $0x4E20, v24;
	[tilespmem:$0x1FFC0] =	vst v28;
	v2 =	vmul.f32 v53, v11  }
0xb8: {  	[tilespmem:v31+s14+$0x0] =	vst.idx.add.f32.msk $0xffff, v1;
	v1 =	vmul.f32 v61, v9  }
0xb9: {  	[tilespmem:v58+s14+$0x0] =	vst.idx.add.f32.msk $0xffff, v2  }
0xba: {  	[tilespmem:v4+s14+$0x0] =	vst.idx.add.f32.msk $0xffff, v1  }
0xbb: {  	v1 =	vld [tilespmem:$0x1FFC0]  }
0xbc: {  	v0 =	vld.idx.msk [tilespmem:v0+s21+$0x0], $0xffff;
	_ =	sdelay $0x4  }
0xbd: {  	v0 =	vmul.f32 v0, v11  }
0xbe: {  	v2 =	vld.idx.msk [tilespmem:v59+s21+$0x0], $0xffff  }
0xbf: {  	[tilespmem:v1+s14+$0x0] =	vst.idx.add.f32.msk $0xffff, v0  }
0xc0: {  	v27 =	vadd.s32 $0x4E20, v33;
	v0 =	vld [tilespmem:$0x1FFD0];
	_ =	sdelay $0x1  }
0xc1: {  	v25 =	vadd.s32 $0x4E20, v35  }
0xc2: {  	v2 =	vmul.f32 v2, v6;
	_ =	sdelay $0x1  }
0xc3: {  	v26 =	vadd.s32 $0x4E20, v39;
	[tilespmem:v27+s14+$0x0] =	vst.idx.add.f32.msk $0xffff, v2;
	v2 =	vmul.f32 v60, v8  }
0xc4: {  	v14 =	vadd.s32 $0x7530, v14  }
0xc5: {  	[tilespmem:v25+s14+$0x0] =	vst.idx.add.f32.msk $0xffff, v2  }
0xc6: {  	[tilespmem:$0x1FFE0] =	vst v29;
	v2 =	vmul.f32 v13, v10;
	v0 =	vld.idx.msk [tilespmem:v0+s21+$0x0], $0xffff  }
0xc7: {  	v1 =	vld [tilespmem:$0x1FFE0]  }
0xc8: {  	v28 =	vadd.s32 $0x7530, v16;
	v16 =	vadd.s32 $0x7530, v43;
	[tilespmem:v26+s14+$0x0] =	vst.idx.add.f32.msk $0xffff, v2  }
0xc9: {  	v2 =	vld.idx.msk [tilespmem:v14+s21+$0x0], $0xffff;
	_ =	sdelay $0x1  }
0xca: {  	v29 =	vadd.s32 $0x7530, v18;
	v18 =	vadd.s32 $0x7530, v33;
	v0 =	vmul.f32 v0, v5  }
0xcb: {  	[tilespmem:$0x1FFF0] =	vst v18  }
0xcc: {  	[tilespmem:v16+s14+$0x0] =	vst.idx.add.f32.msk $0xffff, v0  }
0xcd: {  	v24 =	vadd.s32 $0x7530, v24;
	v0 =	vmul.f32 v2, v7;
	v2 =	vld [tilespmem:$0x1FFF0]  }
0xce: {  	v1 =	vld.idx.msk [tilespmem:v1+s21+$0x0], $0xffff  }
0xcf: {  	v18 =	vadd.s32 $0x7530, v34;
	v62 =	vld.idx.msk [tilespmem:v28+s21+$0x0], $0xffff  }
0xd0: {  	v4 =	vld.idx.msk [tilespmem:v12+s21+$0x0], $0xffff  }
0xd1: {  	s19 =	sadd.s32 $0x8, s19;
	v20 =	vadd.s32 $0x7530, v37;
	v63 =	vld.idx.msk [tilespmem:v29+s21+$0x0], $0xffff  }
0xd2: {  	p0 =	slt.u32 s19, $0x1E8;
	v43 =	vadd.s32 $0x7530, v35;
	v5 =	vld.idx.msk [tilespmem:v24+s21+$0x0], $0xffff  }
.Ltmp2:
0xd3: {  	v1 =	vmul.f32 v1, v6;
	[tilespmem:v22+s14+$0x0] =	vst.idx.add.f32.msk $0xffff, v3;
	(pc) =	sbr.rel @p0 .LBB2_7-.Ltmp2, $4  }
0xd4: {  	[tilespmem:v18+s14+$0x0] =	vst.idx.add.f32.msk $0xffff, v0;
	v0 =	vmul.f32 v62, v9  }
0xd5: {  	v21 =	vadd.s32 $0x7530, v39;
	[tilespmem:v2+s14+$0x0] =	vst.idx.add.f32.msk $0xffff, v1;
	v1 =	vmul.f32 v4, v8  }
0xd6: {  	v23 =	vmov v21;
	[tilespmem:v20+s14+$0x0] =	vst.idx.add.f32.msk $0xffff, v0  }
0xd7: {  	s20 =	sadd.s32 $0x80, s20;
	v22 =	vmov v19;
	v3 =	vmul.f32 v5, v11;
	v4 =	vmul.f32 v63, v10;
	[tilespmem:v43+s14+$0x0] =	vst.idx.add.f32.msk $0xffff, v1  }
0xd8: {  	_ =	sdelay $0x3  }
0xd9: {  	[tilespmem:v23+s14+$0x0] =	vst.idx.add.f32.msk $0xffff, v4  }
0xda: {  	[tilespmem:v22+s14+$0x0] =	vst.idx.add.f32.msk $0xffff, v3  }
.LBB2_9:
0xdb: {  	s19 =	sshra.s32 s21, $0x2  }
0xdc: {  	v0 =	vld [tilespmem:s19+$0x15800];
	_ =	sdelay $0x4  }
0xdd: {  	v1 =	vand.u32 $0xFFFF, v0;
	_ =	sdelay $0x3  }
0xde: {  	v2 =	vld [tilespmem:s19+$0x17740]  }
0xdf: {  	v3 =	vld.idx.msk [tilespmem:v1+s2+$0x0], $0xffff;
	_ =	sdelay $0x1  }
0xe0: {  	v0 =	vshrl.u32 v0, $0x10  }
0xe1: {  	v4 =	vadd.s32 $0x2710, v1;
	_ =	sdelay $0x1  }
0xe2: {  	v3 =	vmul.f32 v3, v2;
	_ =	sdelay $0x1  }
0xe3: {  	[tilespmem:v0+s14+$0x0] =	vst.idx.add.f32.msk $0xffff, v3  }
0xe4: {  	v3 =	vld.idx.msk [tilespmem:v4+s2+$0x0], $0xffff;
	_ =	sdelay $0x1  }
0xe5: {  	v62 =	vadd.s32 $0x2710, v0  }
0xe6: {  	v5 =	vadd.s32 $0x4E20, v1;
	_ =	sdelay $0x1  }
0xe7: {  	v3 =	vmul.f32 v3, v2;
	_ =	sdelay $0x1  }
0xe8: {  	[tilespmem:v62+s14+$0x0] =	vst.idx.add.f32.msk $0xffff, v3  }
0xe9: {  	v3 =	vld.idx.msk [tilespmem:v5+s2+$0x0], $0xffff;
	_ =	sdelay $0x1  }
0xea: {  	v63 =	vadd.s32 $0x4E20, v0  }
0xeb: {  	v1 =	vadd.s32 $0x7530, v1;
	_ =	sdelay $0x1  }
0xec: {  	v3 =	vmul.f32 v3, v2;
	_ =	sdelay $0x1  }
0xed: {  	[tilespmem:v63+s14+$0x0] =	vst.idx.add.f32.msk $0xffff, v3  }
0xee: {  	v1 =	vld.idx.msk [tilespmem:v1+s2+$0x0], $0xffff;
	_ =	sdelay $0x1  }
0xef: {  	p0 =	sne.s32 s21, $0xC0;
	v0 =	vadd.s32 $0x7530, v0  }
.Ltmp3:
0xf0: {  	_ = 	snop;
	(pc) =	sbr.rel @p0 .LBB2_9-.Ltmp3, $3  }
0xf1: {  	_ = 	snop  }
0xf2: {  	v1 =	vmul.f32 v1, v2;
	_ =	sdelay $0x1  }
0xf3: {  	s21 =	sadd.s32 $0x40, s21;
	[tilespmem:v0+s14+$0x0] =	vst.idx.add.f32.msk $0xffff, v1  }
0xf4: {  	s19 =	sshll.u32 s18, $0x1  }
0xf5: {  	s20 =	sadd.s32 $0x2, s19  }
0xf6: {  	s21 =	sshrl.u32 s20, $0x3  }
0xf7: {  	s20 =	sshll.u32 s20, $0x7;
	s21 =	smul.u32 $0x1F400, s21  }
0xf8: {  	s20 =	sand.u32 $0x300, s20  }
0xf9: {  	s20 =	sor.u32 s20, s21  }
0xfa: {  	s20 =	sshrl.u32 s20, $0x3  }
0xfb: {  	s20 =	sadd.s32 s3, s20  }
0xfc: {  	[tilespmem:s11], [sflag:$0x1] =	stream.strided.gather [hbm4b:s20+s9], $0x3E80, s10, s9, $0x38;
	[tilespmem:$0x1B600] =	vst v63  }
0xfd: {  	_ =	swait.ge [sflag:s15], $0x3E80  }
0xfe: {  	[sflag:s15] =	ssyncset.done $0x0  }
0xff: {  	s31 =	simm.s32 $0x19730;
	[sflag:s15] =	ssyncadd.s32 $0xFFFFC180  }
0x100: {  	v0 =	vld [tilespmem:s31+$0xFFFFE0C0]  }
0x101: {  	v11 =	vld [tilespmem:s31+$0xFFFFE060]  }
0x102: {  	v12 =	vld [tilespmem:s31+$0xFFFFE070]  }
0x103: {  	v13 =	vld [tilespmem:s31+$0xFFFFE080]  }
0x104: {  	v14 =	vld [tilespmem:s31+$0xFFFFE090]  }
0x105: {  	v15 =	vld [tilespmem:s31+$0xFFFFE0A0]  }
0x106: {  	v17 =	vld [tilespmem:s31+$0xFFFFE0B0]  }
0x107: {  	v6 =	vld [tilespmem:s31+$0xFFFFE050]  }
0x108: {  	v1 =	vld [tilespmem:s31+$0xFFFFFF90]  }
0x109: {  	v2 =	vld [tilespmem:s31+$0xFFFFFFA0]  }
0x10a: {  	v18 =	vld [tilespmem:s31+$0x0];
	v16 =	vand.u32 $0xFFFF, v0  }
0x10b: {  	v41 =	vld [tilespmem:s31+$0xFFFFFFB0];
	v7 =	vand.u32 $0xFFFF, v11  }
0x10c: {  	v42 =	vld [tilespmem:s31+$0xFFFFFFD0];
	v4 =	vand.u32 $0xFFFF, v12  }
0x10d: {  	v43 =	vld [tilespmem:s31+$0xFFFFFFE0];
	v19 =	vand.u32 $0xFFFF, v6  }
0x10e: {  	s20 =	simm.s32 $0x0;
	v3 =	vand.u32 $0xFFFF, v13;
	v28 =	vshrl.u32 v6, $0x10;
	v6 =	vld [tilespmem:s31+$0xFFFFFFC0]  }
0x10f: {  	v5 =	vand.u32 $0xFFFF, v14;
	v9 =	vld.idx.msk [tilespmem:v16+s20+$0x0], $0xffff  }
0x110: {  	v8 =	vand.u32 $0xFFFF, v15;
	v20 =	vld.idx.msk [tilespmem:v7+s20+$0x0], $0xffff  }
0x111: {  	v23 =	vand.u32 $0xFFFF, v17;
	v21 =	vld.idx.msk [tilespmem:v4+s20+$0x0], $0xffff  }
0x112: {  	v0 =	vshrl.u32 v0, $0x10;
	v26 =	vld.idx.msk [tilespmem:v19+s20+$0x0], $0xffff  }
0x113: {  	v10 =	vadd.s32 $0x2710, v16;
	v22 =	vld.idx.msk [tilespmem:v3+s20+$0x0], $0xffff  }
0x114: {  	v24 =	vld.idx.msk [tilespmem:v5+s20+$0x0], $0xffff  }
0x115: {  	v12 =	vshrl.u32 v12, $0x10;
	v25 =	vld.idx.msk [tilespmem:v8+s20+$0x0], $0xffff;
	v9 =	vmul.f32 v9, v18  }
0x116: {  	v29 =	vld.idx.msk [tilespmem:v23+s20+$0x0], $0xffff  }
0x117: {  	v15 =	vshrl.u32 v15, $0x10;
	v26 =	vmul.f32 v26, v1;
	[tilespmem:v0+s14+$0x0] =	vst.idx.add.f32.msk $0xffff, v9  }
0x118: {  	v32 =	vshrl.u32 v11, $0x10;
	v21 =	vmul.f32 v21, v41;
	v27 =	vld.idx.msk [tilespmem:v10+s20+$0x0], $0xffff  }
0x119: {  	v13 =	vshrl.u32 v13, $0x10;
	[tilespmem:v28+s14+$0x0] =	vst.idx.add.f32.msk $0xffff, v26  }
0x11a: {  	v30 =	vadd.s32 $0x2710, v0;
	[tilespmem:v12+s14+$0x0] =	vst.idx.add.f32.msk $0xffff, v21;
	v21 =	vmul.f32 v25, v43  }
0x11b: {  	v31 =	vadd.s32 $0x4E20, v16;
	v20 =	vmul.f32 v20, v2;
	v26 =	vld [tilespmem:s31+$0xFFFFFFF0]  }
0x11c: {  	v22 =	vmul.f32 v22, v6;
	[tilespmem:v15+s14+$0x0] =	vst.idx.add.f32.msk $0xffff, v21;
	v21 =	vadd.s32 $0x2710, v4  }
0x11d: {  	v14 =	vshrl.u32 v14, $0x10;
	[tilespmem:v32+s14+$0x0] =	vst.idx.add.f32.msk $0xffff, v20;
	v27 =	vmul.f32 v27, v18  }
0x11e: {  	v33 =	vshrl.u32 v17, $0x10;
	[tilespmem:v13+s14+$0x0] =	vst.idx.add.f32.msk $0xffff, v22  }
0x11f: {  	v46 =	vadd.s32 $0x2710, v23;
	[tilespmem:v30+s14+$0x0] =	vst.idx.add.f32.msk $0xffff, v27  }
0x120: {  	v44 =	vadd.s32 $0x2710, v19;
	v20 =	vmul.f32 v24, v42;
	v27 =	vld.idx.msk [tilespmem:v31+s20+$0x0], $0xffff  }
0x121: {  	v24 =	vmul.f32 v29, v26;
	v21 =	vld.idx.msk [tilespmem:v21+s20+$0x0], $0xffff  }
0x122: {  	v45 =	vadd.s32 $0x2710, v3;
	[tilespmem:v14+s14+$0x0] =	vst.idx.add.f32.msk $0xffff, v20  }
0x123: {  	v22 =	vadd.s32 $0x4E20, v0;
	[tilespmem:v33+s14+$0x0] =	vst.idx.add.f32.msk $0xffff, v24  }
0x124: {  	v16 =	vadd.s32 $0x7530, v16;
	v30 =	vld.idx.msk [tilespmem:v46+s20+$0x0], $0xffff  }
0x125: {  	v20 =	vadd.s32 $0x2710, v7;
	v25 =	vmul.f32 v27, v18;
	v27 =	vld.idx.msk [tilespmem:v44+s20+$0x0], $0xffff  }
0x126: {  	v49 =	vmul.f32 v21, v41;
	v21 =	vadd.s32 $0x2710, v33  }
0x127: {  	v29 =	vld.idx.msk [tilespmem:v45+s20+$0x0], $0xffff;
	v24 =	vadd.s32 $0x2710, v28  }
0x128: {  	[tilespmem:v22+s14+$0x0] =	vst.idx.add.f32.msk $0xffff, v25;
	v22 =	vadd.s32 $0x2710, v5  }
0x129: {  	v52 =	vmul.f32 v30, v26;
	v25 =	vadd.s32 $0x2710, v8;
	v16 =	vld.idx.msk [tilespmem:v16+s20+$0x0], $0xffff  }
0x12a: {  	v20 =	vld.idx.msk [tilespmem:v20+s20+$0x0], $0xffff;
	v27 =	vmul.f32 v27, v1  }
0x12b: {  	v0 =	vadd.s32 $0x7530, v0;
	[tilespmem:v21+s14+$0x0] =	vst.idx.add.f32.msk $0xffff, v52  }
0x12c: {  	v47 =	vadd.s32 $0x2710, v32;
	[tilespmem:v24+s14+$0x0] =	vst.idx.add.f32.msk $0xffff, v27  }
0x12d: {  	v21 =	vadd.s32 $0x4E20, v23;
	v22 =	vld.idx.msk [tilespmem:v22+s20+$0x0], $0xffff  }
0x12e: {  	v27 =	vadd.s32 $0x2710, v13;
	v25 =	vld.idx.msk [tilespmem:v25+s20+$0x0], $0xffff;
	v16 =	vmul.f32 v16, v18  }
0x12f: {  	v20 =	vmul.f32 v20, v2;
	v24 =	vadd.s32 $0x2710, v12  }
0x130: {  	[tilespmem:v0+s14+$0x0] =	vst.idx.add.f32.msk $0xffff, v16;
	v0 =	vadd.s32 $0x2710, v15  }
0x131: {  	v53 =	vadd.s32 $0x4E20, v3;
	[tilespmem:v47+s14+$0x0] =	vst.idx.add.f32.msk $0xffff, v20;
	v20 =	vmul.f32 v29, v6  }
0x132: {  	v21 =	vld.idx.msk [tilespmem:v21+s20+$0x0], $0xffff;
	v51 =	vmul.f32 v22, v42;
	v22 =	vadd.s32 $0x4E20, v7  }
0x133: {  	v48 =	vadd.s32 $0x2710, v14;
	[tilespmem:v27+s14+$0x0] =	vst.idx.add.f32.msk $0xffff, v20;
	v20 =	vmul.f32 v25, v43  }
0x134: {  	v50 =	vadd.s32 $0x4E20, v19;
	[tilespmem:v24+s14+$0x0] =	vst.idx.add.f32.msk $0xffff, v49  }
0x135: {  	[tilespmem:v0+s14+$0x0] =	vst.idx.add.f32.msk $0xffff, v20;
	v0 =	vadd.s32 $0x4E20, v5  }
0x136: {  	v54 =	vadd.s32 $0x4E20, v8;
	v18 =	vld.idx.msk [tilespmem:v53+s20+$0x0], $0xffff  }
0x137: {  	v24 =	vadd.s32 $0x4E20, v4;
	v22 =	vld.idx.msk [tilespmem:v22+s20+$0x0], $0xffff  }
0x138: {  	v56 =	vadd.s32 $0x4E20, v13;
	[tilespmem:v48+s14+$0x0] =	vst.idx.add.f32.msk $0xffff, v51  }
0x139: {  	v27 =	vadd.s32 $0x4E20, v32;
	v20 =	vld.idx.msk [tilespmem:v50+s20+$0x0], $0xffff  }
0x13a: {  	v3 =	vadd.s32 $0x7530, v3;
	v0 =	vld.idx.msk [tilespmem:v0+s20+$0x0], $0xffff  }
0x13b: {  	v25 =	vadd.s32 $0x4E20, v28;
	v16 =	vld.idx.msk [tilespmem:v54+s20+$0x0], $0xffff;
	v18 =	vmul.f32 v18, v6  }
0x13c: {  	v57 =	vadd.s32 $0x4E20, v14;
	v24 =	vld.idx.msk [tilespmem:v24+s20+$0x0], $0xffff;
	v22 =	vmul.f32 v22, v2  }
0x13d: {  	v19 =	vadd.s32 $0x7530, v19;
	[tilespmem:v56+s14+$0x0] =	vst.idx.add.f32.msk $0xffff, v18  }
0x13e: {  	v20 =	vmul.f32 v20, v1;
	[tilespmem:v27+s14+$0x0] =	vst.idx.add.f32.msk $0xffff, v22;
	v22 =	vadd.s32 $0x4E20, v33  }
0x13f: {  	v55 =	vadd.s32 $0x4E20, v12;
	v3 =	vld.idx.msk [tilespmem:v3+s20+$0x0], $0xffff;
	v0 =	vmul.f32 v0, v42  }
0x140: {  	v7 =	vadd.s32 $0x7530, v7;
	[tilespmem:v25+s14+$0x0] =	vst.idx.add.f32.msk $0xffff, v20  }
0x141: {  	[tilespmem:v57+s14+$0x0] =	vst.idx.add.f32.msk $0xffff, v0;
	v0 =	vadd.s32 $0x7530, v4;
	v4 =	vmul.f32 v21, v26  }
0x142: {  	v20 =	vadd.s32 $0x4E20, v15;
	v24 =	vmul.f32 v24, v41;
	v58 =	vld.idx.msk [tilespmem:v19+s20+$0x0], $0xffff  }
0x143: {  	[tilespmem:v22+s14+$0x0] =	vst.idx.add.f32.msk $0xffff, v4;
	v4 =	vadd.s32 $0x7530, v5  }
0x144: {  	v59 =	vadd.s32 $0x7530, v23;
	[tilespmem:v55+s14+$0x0] =	vst.idx.add.f32.msk $0xffff, v24  }
0x145: {  	v16 =	vmul.f32 v16, v43;
	v7 =	vld.idx.msk [tilespmem:v7+s20+$0x0], $0xffff;
	v5 =	vadd.s32 $0x7530, v8  }
0x146: {  	v60 =	vadd.s32 $0x7530, v28;
	v0 =	vld.idx.msk [tilespmem:v0+s20+$0x0], $0xffff  }
0x147: {  	v61 =	vadd.s32 $0x7530, v32;
	[tilespmem:v20+s14+$0x0] =	vst.idx.add.f32.msk $0xffff, v16  }
0x148: {  	v12 =	vadd.s32 $0x7530, v12;
	v4 =	vld.idx.msk [tilespmem:v4+s20+$0x0], $0xffff  }
0x149: {  	v62 =	vadd.s32 $0x7530, v13;
	v1 =	vmul.f32 v58, v1;
	v63 =	vld.idx.msk [tilespmem:v59+s20+$0x0], $0xffff  }
0x14a: {  	v2 =	vmul.f32 v7, v2;
	v7 =	vadd.s32 $0x7530, v14;
	v5 =	vld.idx.msk [tilespmem:v5+s20+$0x0], $0xffff  }
0x14b: {  	[tilespmem:v60+s14+$0x0] =	vst.idx.add.f32.msk $0xffff, v1;
	v0 =	vmul.f32 v0, v41  }
0x14c: {  	v1 =	vmul.f32 v3, v6;
	[tilespmem:v61+s14+$0x0] =	vst.idx.add.f32.msk $0xffff, v2  }
0x14d: {  	[tilespmem:v12+s14+$0x0] =	vst.idx.add.f32.msk $0xffff, v0;
	v0 =	vmul.f32 v4, v42  }
0x14e: {  	v24 =	vadd.s32 $0x7530, v33;
	[tilespmem:v62+s14+$0x0] =	vst.idx.add.f32.msk $0xffff, v1  }
0x14f: {  	s22 =	simm.s32 $0x197B0;
	s21 =	simm.s32 $0x0;
	v22 =	vadd.s32 $0x7530, v15;
	v3 =	vmul.f32 v63, v26;
	v4 =	vmul.f32 v5, v43;
	[tilespmem:v7+s14+$0x0] =	vst.idx.add.f32.msk $0xffff, v0  }
.LBB2_11:
0x150: {  	v0 =	vld [tilespmem:s22+$0xFFFFE0C0]  }
0x151: {  	v5 =	vld [tilespmem:s22+$0xFFFFE060]  }
0x152: {  	v6 =	vld [tilespmem:s22+$0xFFFFE070]  }
0x153: {  	v7 =	vld [tilespmem:s22+$0xFFFFE080]  }
0x154: {  	v8 =	vld [tilespmem:s22+$0xFFFFE090]  }
0x155: {  	v9 =	vld [tilespmem:s22+$0xFFFFE0A0]  }
0x156: {  	v12 =	vld [tilespmem:s22+$0xFFFFE050]  }
0x157: {  	v11 =	vld [tilespmem:s22+$0xFFFFE0B0]  }
0x158: {  	v42 =	vld [tilespmem:s22+$0x0];
	v31 =	vand.u32 $0xFFFF, v0  }
0x159: {  	v10 =	vand.u32 $0xFFFF, v5;
	v32 =	vshrl.u32 v5, $0x10;
	v14 =	vand.u32 $0xFFFF, v6;
	v5 =	vld [tilespmem:s22+$0xFFFFFF90]  }
0x15a: {  	v33 =	vshrl.u32 v6, $0x10;
	v6 =	vld [tilespmem:s22+$0xFFFFFFA0];
	v16 =	vand.u32 $0xFFFF, v8;
	v37 =	vshrl.u32 v8, $0x10  }
0x15b: {  	v18 =	vand.u32 $0xFFFF, v9;
	v39 =	vshrl.u32 v9, $0x10;
	v8 =	vand.u32 $0xFFFF, v12;
	v9 =	vld [tilespmem:s22+$0xFFFFFFD0]  }
0x15c: {  	v15 =	vand.u32 $0xFFFF, v7;
	v23 =	vand.u32 $0xFFFF, v11;
	v41 =	vshrl.u32 v11, $0x10;
	v11 =	vld [tilespmem:s22+$0xFFFFFFF0]  }
0x15d: {  	v35 =	vshrl.u32 v7, $0x10;
	v7 =	vld.idx.msk [tilespmem:v31+s20+$0x0], $0xffff  }
0x15e: {  	v17 =	vld.idx.msk [tilespmem:v10+s20+$0x0], $0xffff  }
0x15f: {  	v47 =	vld.idx.msk [tilespmem:v14+s20+$0x0], $0xffff  }
0x160: {  	v43 =	vshrl.u32 v12, $0x10;
	v12 =	vld.idx.msk [tilespmem:v8+s20+$0x0], $0xffff  }
0x161: {  	v0 =	vshrl.u32 v0, $0x10;
	v50 =	vld.idx.msk [tilespmem:v15+s20+$0x0], $0xffff  }
0x162: {  	v52 =	vld.idx.msk [tilespmem:v16+s20+$0x0], $0xffff  }
0x163: {  	v1 =	vadd.s32 $0x2710, v10;
	v19 =	vadd.s32 $0x2710, v31;
	v56 =	vld.idx.msk [tilespmem:v18+s20+$0x0], $0xffff  }
0x164: {  	v58 =	vadd.s32 $0x4E20, v10;
	v29 =	vadd.s32 $0x7530, v10;
	v10 =	vld [tilespmem:s22+$0xFFFFFFE0];
	v7 =	vmul.f32 v7, v42  }
0x165: {  	v61 =	vmul.f32 v17, v6;
	v17 =	vld.idx.msk [tilespmem:v23+s20+$0x0], $0xffff;
	v20 =	vmul.f32 v12, v5  }
0x166: {  	[tilespmem:v0+s14+$0x0] =	vst.idx.add.f32.msk $0xffff, v7  }
0x167: {  	[tilespmem:v43+s14+$0x0] =	vst.idx.add.f32.msk $0xffff, v20  }
0x168: {  	v36 =	vadd.s32 $0x2710, v15;
	v45 =	vadd.s32 $0x2710, v8;
	[tilespmem:$0x1FF40] =	vst v1;
	v2 =	vld.idx.msk [tilespmem:v19+s20+$0x0], $0xffff  }
0x169: {  	v54 =	vadd.s32 $0x2710, v39;
	v56 =	vmul.f32 v56, v10;
	v7 =	vadd.s32 $0x4E20, v37;
	[tilespmem:v32+s14+$0x0] =	vst.idx.add.f32.msk $0xffff, v61  }
0x16a: {  	v55 =	vadd.s32 $0x4E20, v8;
	[tilespmem:$0x1FF50] =	vst v7;
	v7 =	vadd.s32 $0x7530, v8;
	v8 =	vld [tilespmem:s22+$0xFFFFFFC0];
	v19 =	vadd.s32 $0x2710, v0  }
0x16b: {  	v60 =	vadd.s32 $0x4E20, v15;
	v12 =	vadd.s32 $0x7530, v15;
	v15 =	vadd.s32 $0x4E20, v31;
	[tilespmem:v39+s14+$0x0] =	vst.idx.add.f32.msk $0xffff, v56  }
0x16c: {  	v26 =	vadd.s32 $0x4E20, v39;
	v21 =	vadd.s32 $0x7530, v39;
	v39 =	vld [tilespmem:$0x1FF40];
	v17 =	vmul.f32 v17, v11  }
0x16d: {  	v40 =	vadd.s32 $0x2710, v18;
	[tilespmem:$0x1FF70] =	vst v7;
	v7 =	vld [tilespmem:s22+$0xFFFFFFB0];
	v2 =	vmul.f32 v2, v42  }
0x16e: {  	[tilespmem:v41+s14+$0x0] =	vst.idx.add.f32.msk $0xffff, v17  }
0x16f: {  	v50 =	vmul.f32 v50, v8;
	[tilespmem:v19+s14+$0x0] =	vst.idx.add.f32.msk $0xffff, v2  }
0x170: {  	v15 =	vld.idx.msk [tilespmem:v15+s20+$0x0], $0xffff  }
0x171: {  	v34 =	vadd.s32 $0x2710, v14;
	v2 =	vmul.f32 v52, v9;
	[tilespmem:v35+s14+$0x0] =	vst.idx.add.f32.msk $0xffff, v50  }
0x172: {  	v61 =	vadd.s32 $0x4E20, v0;
	v47 =	vmul.f32 v47, v7;
	v50 =	vld.idx.msk [tilespmem:v40+s20+$0x0], $0xffff  }
0x173: {  	[tilespmem:v37+s14+$0x0] =	vst.idx.add.f32.msk $0xffff, v2;
	v2 =	vadd.s32 $0x7530, v31  }
0x174: {  	v38 =	vadd.s32 $0x2710, v16;
	[tilespmem:v33+s14+$0x0] =	vst.idx.add.f32.msk $0xffff, v47  }
0x175: {  	v53 =	vadd.s32 $0x2710, v37;
	v20 =	vadd.s32 $0x7530, v37;
	v37 =	vld.idx.msk [tilespmem:v45+s20+$0x0], $0xffff;
	v15 =	vmul.f32 v15, v42  }
0x176: {  	v57 =	vadd.s32 $0x2710, v41;
	v28 =	vadd.s32 $0x4E20, v41;
	v19 =	vadd.s32 $0x7530, v41;
	v41 =	vld.idx.msk [tilespmem:v34+s20+$0x0], $0xffff  }
0x177: {  	v44 =	vadd.s32 $0x2710, v23;
	[tilespmem:v61+s14+$0x0] =	vst.idx.add.f32.msk $0xffff, v15  }
0x178: {  	v46 =	vadd.s32 $0x2710, v43;
	v2 =	vld.idx.msk [tilespmem:v2+s20+$0x0], $0xffff  }
0x179: {  	v49 =	vadd.s32 $0x2710, v33;
	v15 =	vld.idx.msk [tilespmem:v39+s20+$0x0], $0xffff  }
0x17a: {  	v0 =	vadd.s32 $0x7530, v0;
	v45 =	vld.idx.msk [tilespmem:v36+s20+$0x0], $0xffff  }
0x17b: {  	v48 =	vadd.s32 $0x2710, v32;
	v47 =	vld.idx.msk [tilespmem:v38+s20+$0x0], $0xffff;
	v17 =	vmul.f32 v37, v5  }
0x17c: {  	v51 =	vadd.s32 $0x2710, v35;
	v52 =	vld.idx.msk [tilespmem:v44+s20+$0x0], $0xffff;
	v56 =	vmul.f32 v41, v7  }
0x17d: {  	[tilespmem:v46+s14+$0x0] =	vst.idx.add.f32.msk $0xffff, v17;
	v2 =	vmul.f32 v2, v42  }
0x17e: {  	[tilespmem:v49+s14+$0x0] =	vst.idx.add.f32.msk $0xffff, v56;
	v15 =	vmul.f32 v15, v6  }
0x17f: {  	[tilespmem:v0+s14+$0x0] =	vst.idx.add.f32.msk $0xffff, v2;
	v0 =	vmul.f32 v45, v8  }
0x180: {  	[tilespmem:v48+s14+$0x0] =	vst.idx.add.f32.msk $0xffff, v15;
	v2 =	vmul.f32 v47, v9  }
0x181: {  	[tilespmem:v51+s14+$0x0] =	vst.idx.add.f32.msk $0xffff, v0;
	v0 =	vmul.f32 v50, v10  }
0x182: {  	v59 =	vadd.s32 $0x4E20, v14;
	[tilespmem:v53+s14+$0x0] =	vst.idx.add.f32.msk $0xffff, v2;
	v2 =	vmul.f32 v52, v11  }
0x183: {  	[tilespmem:v54+s14+$0x0] =	vst.idx.add.f32.msk $0xffff, v0  }
0x184: {  	v63 =	vadd.s32 $0x4E20, v18;
	[tilespmem:v57+s14+$0x0] =	vst.idx.add.f32.msk $0xffff, v2  }
0x185: {  	v0 =	vld.idx.msk [tilespmem:v55+s20+$0x0], $0xffff  }
0x186: {  	v2 =	vld.idx.msk [tilespmem:v58+s20+$0x0], $0xffff  }
0x187: {  	v62 =	vadd.s32 $0x4E20, v16;
	v58 =	vld.idx.msk [tilespmem:v59+s20+$0x0], $0xffff  }
0x188: {  	v59 =	vld.idx.msk [tilespmem:v60+s20+$0x0], $0xffff  }
0x189: {  	v1 =	vadd.s32 $0x4E20, v23;
	v61 =	vld.idx.msk [tilespmem:v63+s20+$0x0], $0xffff  }
0x18a: {  	v13 =	vadd.s32 $0x4E20, v43;
	[tilespmem:v22+s14+$0x0] =	vst.idx.add.f32.msk $0xffff, v4  }
0x18b: {  	v4 =	vld [tilespmem:$0x1FF50]  }
0x18c: {  	v30 =	vadd.s32 $0x4E20, v33;
	v60 =	vld.idx.msk [tilespmem:v62+s20+$0x0], $0xffff  }
0x18d: {  	v0 =	vmul.f32 v0, v5  }
0x18e: {  	v1 =	vld.idx.msk [tilespmem:v1+s20+$0x0], $0xffff  }
0x18f: {  	[tilespmem:v13+s14+$0x0] =	vst.idx.add.f32.msk $0xffff, v0;
	v0 =	vmul.f32 v58, v7;
	_ =	sdelay $0x1  }
0x190: {  	[tilespmem:v30+s14+$0x0] =	vst.idx.add.f32.msk $0xffff, v0;
	v0 =	vmul.f32 v60, v9  }
0x191: {  	[tilespmem:$0x1FF60] =	vst v28  }
0x192: {  	[tilespmem:v4+s14+$0x0] =	vst.idx.add.f32.msk $0xffff, v0  }
0x193: {  	v0 =	vmul.f32 v1, v11;
	v1 =	vld [tilespmem:$0x1FF60];
	_ =	sdelay $0x7  }
0x194: {  	[tilespmem:v1+s14+$0x0] =	vst.idx.add.f32.msk $0xffff, v0  }
0x195: {  	v27 =	vadd.s32 $0x4E20, v32;
	v0 =	vld [tilespmem:$0x1FF70];
	_ =	sdelay $0x1  }
0x196: {  	v25 =	vadd.s32 $0x4E20, v35  }
0x197: {  	v2 =	vmul.f32 v2, v6;
	_ =	sdelay $0x1  }
0x198: {  	[tilespmem:v27+s14+$0x0] =	vst.idx.add.f32.msk $0xffff, v2;
	v2 =	vmul.f32 v59, v8  }
0x199: {  	v14 =	vadd.s32 $0x7530, v14  }
0x19a: {  	[tilespmem:v25+s14+$0x0] =	vst.idx.add.f32.msk $0xffff, v2  }
0x19b: {  	[tilespmem:$0x1FF80] =	vst v29;
	v2 =	vmul.f32 v61, v10;
	v0 =	vld.idx.msk [tilespmem:v0+s20+$0x0], $0xffff  }
0x19c: {  	v1 =	vld [tilespmem:$0x1FF80]  }
0x19d: {  	v28 =	vadd.s32 $0x7530, v16;
	v16 =	vadd.s32 $0x7530, v43;
	[tilespmem:v26+s14+$0x0] =	vst.idx.add.f32.msk $0xffff, v2  }
0x19e: {  	v2 =	vld.idx.msk [tilespmem:v14+s20+$0x0], $0xffff;
	_ =	sdelay $0x1  }
0x19f: {  	v29 =	vadd.s32 $0x7530, v18;
	v18 =	vadd.s32 $0x7530, v32;
	v0 =	vmul.f32 v0, v5  }
0x1a0: {  	[tilespmem:$0x1FF90] =	vst v18  }
0x1a1: {  	[tilespmem:v16+s14+$0x0] =	vst.idx.add.f32.msk $0xffff, v0  }
0x1a2: {  	v23 =	vadd.s32 $0x7530, v23;
	v0 =	vmul.f32 v2, v7;
	v2 =	vld [tilespmem:$0x1FF90]  }
0x1a3: {  	v1 =	vld.idx.msk [tilespmem:v1+s20+$0x0], $0xffff  }
0x1a4: {  	v18 =	vadd.s32 $0x7530, v33;
	v62 =	vld.idx.msk [tilespmem:v28+s20+$0x0], $0xffff  }
0x1a5: {  	v4 =	vld.idx.msk [tilespmem:v12+s20+$0x0], $0xffff  }
0x1a6: {  	s21 =	sadd.s32 $0x8, s21;
	v63 =	vld.idx.msk [tilespmem:v29+s20+$0x0], $0xffff  }
0x1a7: {  	p0 =	slt.u32 s21, $0x1E8;
	v43 =	vadd.s32 $0x7530, v35;
	v5 =	vld.idx.msk [tilespmem:v23+s20+$0x0], $0xffff  }
.Ltmp4:
0x1a8: {  	v1 =	vmul.f32 v1, v6;
	[tilespmem:v24+s14+$0x0] =	vst.idx.add.f32.msk $0xffff, v3;
	(pc) =	sbr.rel @p0 .LBB2_11-.Ltmp4, $4  }
0x1a9: {  	[tilespmem:v18+s14+$0x0] =	vst.idx.add.f32.msk $0xffff, v0;
	v0 =	vmul.f32 v62, v9  }
0x1aa: {  	[tilespmem:v2+s14+$0x0] =	vst.idx.add.f32.msk $0xffff, v1;
	v1 =	vmul.f32 v4, v8  }
0x1ab: {  	v22 =	vmov v21;
	[tilespmem:v20+s14+$0x0] =	vst.idx.add.f32.msk $0xffff, v0  }
0x1ac: {  	s22 =	sadd.s32 $0x80, s22;
	v24 =	vmov v19;
	v3 =	vmul.f32 v5, v11;
	v4 =	vmul.f32 v63, v10;
	[tilespmem:v43+s14+$0x0] =	vst.idx.add.f32.msk $0xffff, v1  }
0x1ad: {  	_ =	sdelay $0x3  }
0x1ae: {  	[tilespmem:v22+s14+$0x0] =	vst.idx.add.f32.msk $0xffff, v4  }
0x1af: {  	[tilespmem:v24+s14+$0x0] =	vst.idx.add.f32.msk $0xffff, v3  }
.LBB2_13:
0x1b0: {  	s21 =	sshra.s32 s20, $0x2  }
0x1b1: {  	v0 =	vld [tilespmem:s21+$0x19680];
	_ =	sdelay $0x4  }
0x1b2: {  	v1 =	vand.u32 $0xFFFF, v0;
	_ =	sdelay $0x3  }
0x1b3: {  	v2 =	vld [tilespmem:s21+$0x1B5C0]  }
0x1b4: {  	v3 =	vld.idx.msk [tilespmem:v1+s2+$0x0], $0xffff;
	_ =	sdelay $0x1  }
0x1b5: {  	v0 =	vshrl.u32 v0, $0x10  }
0x1b6: {  	v4 =	vadd.s32 $0x2710, v1;
	_ =	sdelay $0x1  }
0x1b7: {  	v3 =	vmul.f32 v3, v2;
	_ =	sdelay $0x1  }
0x1b8: {  	[tilespmem:v0+s14+$0x0] =	vst.idx.add.f32.msk $0xffff, v3  }
0x1b9: {  	v3 =	vld.idx.msk [tilespmem:v4+s2+$0x0], $0xffff;
	_ =	sdelay $0x1  }
0x1ba: {  	v62 =	vadd.s32 $0x2710, v0  }
0x1bb: {  	v5 =	vadd.s32 $0x4E20, v1;
	_ =	sdelay $0x1  }
0x1bc: {  	v3 =	vmul.f32 v3, v2;
	_ =	sdelay $0x1  }
0x1bd: {  	[tilespmem:v62+s14+$0x0] =	vst.idx.add.f32.msk $0xffff, v3  }
0x1be: {  	v3 =	vld.idx.msk [tilespmem:v5+s2+$0x0], $0xffff;
	_ =	sdelay $0x1  }
0x1bf: {  	v63 =	vadd.s32 $0x4E20, v0  }
0x1c0: {  	v1 =	vadd.s32 $0x7530, v1;
	_ =	sdelay $0x1  }
0x1c1: {  	v3 =	vmul.f32 v3, v2;
	_ =	sdelay $0x1  }
0x1c2: {  	[tilespmem:v63+s14+$0x0] =	vst.idx.add.f32.msk $0xffff, v3  }
0x1c3: {  	v1 =	vld.idx.msk [tilespmem:v1+s2+$0x0], $0xffff;
	_ =	sdelay $0x1  }
0x1c4: {  	p0 =	sne.s32 s20, $0xC0;
	v0 =	vadd.s32 $0x7530, v0  }
.Ltmp5:
0x1c5: {  	_ = 	snop;
	(pc) =	sbr.rel @p0 .LBB2_13-.Ltmp5, $3  }
0x1c6: {  	_ = 	snop  }
0x1c7: {  	v1 =	vmul.f32 v1, v2;
	_ =	sdelay $0x1  }
0x1c8: {  	s20 =	sadd.s32 $0x40, s20;
	[tilespmem:v0+s14+$0x0] =	vst.idx.add.f32.msk $0xffff, v1  }
0x1c9: {  	s19 =	sadd.s32 $0x3, s19  }
0x1ca: {  	s18 =	sadd.s32 $0x1, s18;
	s20 =	sshrl.u32 s19, $0x3  }
0x1cb: {  	s19 =	sshll.u32 s19, $0x7;
	p0 =	sne.s32 s18, $0x14;
	s20 =	smul.u32 $0x1F400, s20  }
.Ltmp6:
0x1cc: {  	s19 =	sand.u32 $0x380, s19;
	(pc) =	sbr.rel @p0 .LBB2_6-.Ltmp6, $4  }
0x1cd: {  	s19 =	sor.u32 s19, s20  }
0x1ce: {  	s19 =	sshrl.u32 s19, $0x3  }
0x1cf: {  	s19 =	sadd.s32 s3, s19  }
0x1d0: {  	[tilespmem:s12], [sflag:$0x2] =	stream.strided.gather [hbm4b:s19+s9], $0x3E80, s10, s9, $0x38;
	[tilespmem:$0x1B600] =	vst v63  }
0x1d1: {  	_ =	swait.ge [sflag:s13], $0x3E80  }
0x1d2: {  	[sflag:s13] =	ssyncset.done $0x0  }
0x1d3: {  	[sflag:s13] =	ssyncadd.s32 $0xFFFFC180  }
0x1d4: {  	_ =	swait.ge [sflag:s15], $0x3E80  }
0x1d5: {  	[sflag:s15] =	ssyncset.done $0x0  }
0x1d6: {  	s17 =	simm.s32 $0x40;
	v0 =	vimm.f32 $0.0e+00;
	[sflag:s15] =	ssyncadd.s32 $0xFFFFC180  }
0x1d7: {  	[tilespmem:s17+$0xFFFFFFC0] =	vst v0  }
0x1d8: {  	[tilespmem:s17+$0x30] =	vst v0  }
0x1d9: {  	[tilespmem:s17+$0x20] =	vst v0  }
0x1da: {  	[tilespmem:s17+$0x10] =	vst v0  }
0x1db: {  	[tilespmem:s17+$0x0] =	vst v0  }
0x1dc: {  	[tilespmem:s17+$0xFFFFFFF0] =	vst v0  }
0x1dd: {  	s18 =	simm.s32 $0x0;
	[tilespmem:s17+$0xFFFFFFE0] =	vst v0  }
.LBB2_16:
0x1de: {  	s18 =	sadd.s32 $0x8, s18;
	[tilespmem:s17+$0xFFFFFFD0] =	vst v0;
	s17 =	sadd.s32 $0x80, s17  }
0x1df: {  	[tilespmem:s17+$0xFFFFFFC0] =	vst v0;
	p0 =	slt.u32 s18, $0x9B8  }
0x1e0: {  	[tilespmem:s17+$0x30] =	vst v0  }
.Ltmp7:
0x1e1: {  	[tilespmem:s17+$0x20] =	vst v0;
	(pc) =	sbr.rel @p0 .LBB2_16-.Ltmp7, $4  }
0x1e2: {  	[tilespmem:s17+$0x10] =	vst v0  }
0x1e3: {  	[tilespmem:s17+$0x0] =	vst v0  }
0x1e4: {  	[tilespmem:s17+$0xFFFFFFF0] =	vst v0  }
0x1e5: {  	[tilespmem:s17+$0xFFFFFFE0] =	vst v0  }
0x1e6: {  	[tilespmem:s17+$0xFFFFFFD0] =	vst v0;
	s17 =	simm.s32 $0x0  }
.LBB2_18:
0x1e7: {  	p0 =	sne.s32 s17, $0xC0  }
.Ltmp8:
0x1e8: {  	_ = 	snop;
	(pc) =	sbr.rel @p0 .LBB2_18-.Ltmp8, $3  }
0x1e9: {  	_ =	sdelay $0x1  }
0x1ea: {  	s18 =	sshra.s32 s17, $0x2  }
0x1eb: {  	s17 =	sadd.s32 $0x40, s17;
	[tilespmem:s18+$0x9C00] =	vst v0  }
0x1ec: {  	[tilespmem:s11], [sflag:$0x1] =	stream.strided.gather [hbm4b:s3+s9], $0x3E80, s10, s9, $0x38;
	[tilespmem:$0x1B600] =	vst v63  }
0x1ed: {  	s17 =	simm.s32 $0x0;
	s18 =	simm.s32 $0x0  }
0x1ee: {  	[tilespmem:s12], [sflag:$0x2] =	stream.strided.gather [hbm4b:s5+s9], $0x3E80, s10, s9, $0x38;
	[tilespmem:$0x1B600] =	vst v63  }
.LBB2_20:
0x1ef: {  	_ =	swait.ge [sflag:s13], $0x3E80  }
0x1f0: {  	[sflag:s13] =	ssyncset.done $0x0  }
0x1f1: {  	s19 =	simm.s32 $0x158B0;
	[sflag:s13] =	ssyncadd.s32 $0xFFFFC180  }
0x1f2: {  	v0 =	vld [tilespmem:s19+$0xFFFFE0C0]  }
0x1f3: {  	v11 =	vld [tilespmem:s19+$0xFFFFE060]  }
0x1f4: {  	v12 =	vld [tilespmem:s19+$0xFFFFE070]  }
0x1f5: {  	v13 =	vld [tilespmem:s19+$0xFFFFE080]  }
0x1f6: {  	v14 =	vld [tilespmem:s19+$0xFFFFE090]  }
0x1f7: {  	v15 =	vld [tilespmem:s19+$0xFFFFE0A0]  }
0x1f8: {  	v17 =	vld [tilespmem:s19+$0xFFFFE0B0]  }
0x1f9: {  	v5 =	vld [tilespmem:s19+$0xFFFFE050]  }
0x1fa: {  	v2 =	vld [tilespmem:s19+$0xFFFFFF90]  }
0x1fb: {  	v1 =	vld [tilespmem:s19+$0xFFFFFFA0];
	v16 =	vand.u32 $0xFFFF, v0  }
0x1fc: {  	v18 =	vld [tilespmem:s19+$0x0];
	v10 =	vand.u32 $0xFFFF, v11  }
0x1fd: {  	v33 =	vld [tilespmem:s19+$0xFFFFFFE0];
	v6 =	vand.u32 $0xFFFF, v12  }
0x1fe: {  	v34 =	vld [tilespmem:s19+$0xFFFFFFF0];
	v3 =	vand.u32 $0xFFFF, v13  }
0x1ff: {  	v4 =	vand.u32 $0xFFFF, v14;
	v19 =	vand.u32 $0xFFFF, v5;
	v28 =	vshrl.u32 v5, $0x10;
	v5 =	vld [tilespmem:s19+$0xFFFFFFC0]  }
0x200: {  	v8 =	vld.idx.msk [tilespmem:v16+s14+$0x0], $0xffff  }
0x201: {  	v7 =	vand.u32 $0xFFFF, v15;
	v20 =	vld.idx.msk [tilespmem:v10+s14+$0x0], $0xffff  }
0x202: {  	v23 =	vand.u32 $0xFFFF, v17;
	v21 =	vld.idx.msk [tilespmem:v6+s14+$0x0], $0xffff  }
0x203: {  	v0 =	vshrl.u32 v0, $0x10;
	v22 =	vld.idx.msk [tilespmem:v3+s14+$0x0], $0xffff  }
0x204: {  	v9 =	vadd.s32 $0x2710, v16;
	v24 =	vld.idx.msk [tilespmem:v4+s14+$0x0], $0xffff  }
0x205: {  	v26 =	vld.idx.msk [tilespmem:v19+s14+$0x0], $0xffff  }
0x206: {  	v25 =	vld.idx.msk [tilespmem:v7+s14+$0x0], $0xffff;
	v8 =	vmul.f32 v8, v18  }
0x207: {  	v29 =	vld.idx.msk [tilespmem:v23+s14+$0x0], $0xffff  }
0x208: {  	v32 =	vshrl.u32 v11, $0x10;
	[tilespmem:v0+s17+$0x0] =	vst.idx.add.f32.msk $0xffff, v8  }
0x209: {  	v13 =	vshrl.u32 v13, $0x10;
	v27 =	vld.idx.msk [tilespmem:v9+s14+$0x0], $0xffff  }
0x20a: {  	v17 =	vshrl.u32 v17, $0x10;
	v26 =	vmul.f32 v26, v2;
	v8 =	vld [tilespmem:s19+$0xFFFFFFB0]  }
0x20b: {  	v30 =	vadd.s32 $0x2710, v0;
	v20 =	vmul.f32 v20, v1;
	v9 =	vld [tilespmem:s19+$0xFFFFFFD0]  }
0x20c: {  	v31 =	vadd.s32 $0x4E20, v16;
	v22 =	vmul.f32 v22, v5;
	[tilespmem:v28+s17+$0x0] =	vst.idx.add.f32.msk $0xffff, v26  }
0x20d: {  	v14 =	vshrl.u32 v14, $0x10;
	v36 =	vmul.f32 v29, v34;
	[tilespmem:v32+s17+$0x0] =	vst.idx.add.f32.msk $0xffff, v20  }
0x20e: {  	v12 =	vshrl.u32 v12, $0x10;
	[tilespmem:v13+s17+$0x0] =	vst.idx.add.f32.msk $0xffff, v22;
	v27 =	vmul.f32 v27, v18  }
0x20f: {  	v35 =	vadd.s32 $0x2710, v19;
	[tilespmem:v17+s17+$0x0] =	vst.idx.add.f32.msk $0xffff, v36  }
0x210: {  	v15 =	vshrl.u32 v15, $0x10;
	v20 =	vmul.f32 v24, v9;
	[tilespmem:v30+s17+$0x0] =	vst.idx.add.f32.msk $0xffff, v27  }
0x211: {  	v39 =	vadd.s32 $0x2710, v3;
	v21 =	vmul.f32 v21, v8;
	v27 =	vld.idx.msk [tilespmem:v31+s14+$0x0], $0xffff  }
0x212: {  	[tilespmem:v14+s17+$0x0] =	vst.idx.add.f32.msk $0xffff, v20;
	v20 =	vadd.s32 $0x2710, v10  }
0x213: {  	v22 =	vadd.s32 $0x4E20, v0;
	[tilespmem:v12+s17+$0x0] =	vst.idx.add.f32.msk $0xffff, v21;
	v21 =	vmul.f32 v25, v33  }
0x214: {  	v16 =	vadd.s32 $0x7530, v16;
	v38 =	vld.idx.msk [tilespmem:v35+s14+$0x0], $0xffff  }
0x215: {  	[tilespmem:v15+s17+$0x0] =	vst.idx.add.f32.msk $0xffff, v21;
	v21 =	vadd.s32 $0x2710, v6  }
0x216: {  	v42 =	vadd.s32 $0x2710, v23;
	v29 =	vld.idx.msk [tilespmem:v39+s14+$0x0], $0xffff;
	v37 =	vmul.f32 v27, v18  }
0x217: {  	v41 =	vadd.s32 $0x2710, v7;
	v20 =	vld.idx.msk [tilespmem:v20+s14+$0x0], $0xffff  }
0x218: {  	[tilespmem:v22+s17+$0x0] =	vst.idx.add.f32.msk $0xffff, v37;
	v22 =	vadd.s32 $0x2710, v4  }
0x219: {  	v40 =	vadd.s32 $0x2710, v28;
	v16 =	vld.idx.msk [tilespmem:v16+s14+$0x0], $0xffff  }
0x21a: {  	v43 =	vadd.s32 $0x2710, v32;
	v21 =	vld.idx.msk [tilespmem:v21+s14+$0x0], $0xffff  }
0x21b: {  	v0 =	vadd.s32 $0x7530, v0;
	v30 =	vld.idx.msk [tilespmem:v42+s14+$0x0], $0xffff  }
0x21c: {  	v44 =	vadd.s32 $0x2710, v12;
	v25 =	vld.idx.msk [tilespmem:v41+s14+$0x0], $0xffff;
	v27 =	vmul.f32 v38, v2  }
0x21d: {  	v45 =	vadd.s32 $0x2710, v13;
	v20 =	vmul.f32 v20, v1;
	v22 =	vld.idx.msk [tilespmem:v22+s14+$0x0], $0xffff  }
0x21e: {  	v50 =	vadd.s32 $0x4E20, v6;
	[tilespmem:v40+s17+$0x0] =	vst.idx.add.f32.msk $0xffff, v27;
	v16 =	vmul.f32 v16, v18  }
0x21f: {  	v52 =	vadd.s32 $0x4E20, v3;
	v47 =	vmul.f32 v21, v8;
	[tilespmem:v43+s17+$0x0] =	vst.idx.add.f32.msk $0xffff, v20  }
0x220: {  	v20 =	vmul.f32 v29, v5;
	[tilespmem:v0+s17+$0x0] =	vst.idx.add.f32.msk $0xffff, v16;
	v0 =	vadd.s32 $0x2710, v15  }
0x221: {  	v21 =	vadd.s32 $0x2710, v17;
	[tilespmem:v44+s17+$0x0] =	vst.idx.add.f32.msk $0xffff, v47  }
0x222: {  	[tilespmem:v45+s17+$0x0] =	vst.idx.add.f32.msk $0xffff, v20;
	v49 =	vmul.f32 v22, v9;
	v22 =	vadd.s32 $0x4E20, v10  }
0x223: {  	v46 =	vadd.s32 $0x2710, v14;
	v20 =	vmul.f32 v25, v33;
	v24 =	vld.idx.msk [tilespmem:v50+s14+$0x0], $0xffff  }
0x224: {  	v48 =	vadd.s32 $0x4E20, v19;
	v51 =	vmul.f32 v30, v34;
	v18 =	vld.idx.msk [tilespmem:v52+s14+$0x0], $0xffff  }
0x225: {  	[tilespmem:v0+s17+$0x0] =	vst.idx.add.f32.msk $0xffff, v20;
	v0 =	vadd.s32 $0x4E20, v4  }
0x226: {  	[tilespmem:v21+s17+$0x0] =	vst.idx.add.f32.msk $0xffff, v51;
	v21 =	vadd.s32 $0x4E20, v23  }
0x227: {  	v56 =	vadd.s32 $0x4E20, v12;
	v22 =	vld.idx.msk [tilespmem:v22+s14+$0x0], $0xffff  }
0x228: {  	v53 =	vadd.s32 $0x4E20, v7;
	[tilespmem:v46+s17+$0x0] =	vst.idx.add.f32.msk $0xffff, v49  }
0x229: {  	v55 =	vadd.s32 $0x4E20, v32;
	v20 =	vld.idx.msk [tilespmem:v48+s14+$0x0], $0xffff  }
0x22a: {  	v57 =	vadd.s32 $0x4E20, v13;
	v24 =	vmul.f32 v24, v8;
	v0 =	vld.idx.msk [tilespmem:v0+s14+$0x0], $0xffff  }
0x22b: {  	v54 =	vadd.s32 $0x4E20, v28;
	v21 =	vld.idx.msk [tilespmem:v21+s14+$0x0], $0xffff  }
0x22c: {  	v58 =	vadd.s32 $0x4E20, v14;
	[tilespmem:v56+s17+$0x0] =	vst.idx.add.f32.msk $0xffff, v24;
	v22 =	vmul.f32 v22, v1  }
0x22d: {  	v10 =	vadd.s32 $0x7530, v10;
	v18 =	vmul.f32 v18, v5;
	v16 =	vld.idx.msk [tilespmem:v53+s14+$0x0], $0xffff  }
0x22e: {  	v20 =	vmul.f32 v20, v2;
	[tilespmem:v55+s17+$0x0] =	vst.idx.add.f32.msk $0xffff, v22;
	v22 =	vadd.s32 $0x4E20, v17  }
0x22f: {  	v19 =	vadd.s32 $0x7530, v19;
	[tilespmem:v57+s17+$0x0] =	vst.idx.add.f32.msk $0xffff, v18;
	v0 =	vmul.f32 v0, v9  }
0x230: {  	v3 =	vadd.s32 $0x7530, v3;
	[tilespmem:v54+s17+$0x0] =	vst.idx.add.f32.msk $0xffff, v20  }
0x231: {  	[tilespmem:v58+s17+$0x0] =	vst.idx.add.f32.msk $0xffff, v0;
	v0 =	vadd.s32 $0x7530, v6;
	v6 =	vmul.f32 v21, v34  }
0x232: {  	v20 =	vadd.s32 $0x4E20, v15;
	v10 =	vld.idx.msk [tilespmem:v10+s14+$0x0], $0xffff  }
0x233: {  	v4 =	vadd.s32 $0x7530, v4;
	[tilespmem:v22+s17+$0x0] =	vst.idx.add.f32.msk $0xffff, v6  }
0x234: {  	v59 =	vadd.s32 $0x7530, v23;
	v6 =	vadd.s32 $0x7530, v7;
	v7 =	vld.idx.msk [tilespmem:v19+s14+$0x0], $0xffff  }
0x235: {  	v3 =	vld.idx.msk [tilespmem:v3+s14+$0x0], $0xffff;
	v16 =	vmul.f32 v16, v33  }
0x236: {  	v61 =	vadd.s32 $0x7530, v32;
	v0 =	vld.idx.msk [tilespmem:v0+s14+$0x0], $0xffff  }
0x237: {  	v60 =	vadd.s32 $0x7530, v28;
	[tilespmem:v20+s17+$0x0] =	vst.idx.add.f32.msk $0xffff, v16  }
0x238: {  	v12 =	vadd.s32 $0x7530, v12;
	v4 =	vld.idx.msk [tilespmem:v4+s14+$0x0], $0xffff  }
0x239: {  	v1 =	vmul.f32 v10, v1;
	v63 =	vld.idx.msk [tilespmem:v59+s14+$0x0], $0xffff;
	v2 =	vmul.f32 v7, v2;
	v7 =	vadd.s32 $0x7530, v13  }
0x23a: {  	v62 =	vadd.s32 $0x7530, v14;
	v6 =	vld.idx.msk [tilespmem:v6+s14+$0x0], $0xffff  }
0x23b: {  	[tilespmem:v61+s17+$0x0] =	vst.idx.add.f32.msk $0xffff, v1;
	v0 =	vmul.f32 v0, v8  }
0x23c: {  	v1 =	vmul.f32 v3, v5;
	[tilespmem:v60+s17+$0x0] =	vst.idx.add.f32.msk $0xffff, v2  }
0x23d: {  	[tilespmem:v12+s17+$0x0] =	vst.idx.add.f32.msk $0xffff, v0;
	v0 =	vmul.f32 v4, v9  }
0x23e: {  	v23 =	vadd.s32 $0x7530, v17;
	[tilespmem:v7+s17+$0x0] =	vst.idx.add.f32.msk $0xffff, v1  }
0x23f: {  	s20 =	simm.s32 $0x15930;
	s21 =	simm.s32 $0x0;
	s19 =	simm.s32 $0x0;
	v22 =	vadd.s32 $0x7530, v15;
	v3 =	vmul.f32 v63, v34;
	v4 =	vmul.f32 v6, v33;
	[tilespmem:v62+s17+$0x0] =	vst.idx.add.f32.msk $0xffff, v0  }
.LBB2_21:
0x240: {  	v0 =	vld [tilespmem:s20+$0xFFFFE0C0]  }
0x241: {  	v5 =	vld [tilespmem:s20+$0xFFFFE060]  }
0x242: {  	v6 =	vld [tilespmem:s20+$0xFFFFE070]  }
0x243: {  	v7 =	vld [tilespmem:s20+$0xFFFFE080]  }
0x244: {  	v8 =	vld [tilespmem:s20+$0xFFFFE090]  }
0x245: {  	v9 =	vld [tilespmem:s20+$0xFFFFE0A0]  }
0x246: {  	v12 =	vld [tilespmem:s20+$0xFFFFE050]  }
0x247: {  	v11 =	vld [tilespmem:s20+$0xFFFFE0B0]  }
0x248: {  	v42 =	vld [tilespmem:s20+$0x0];
	v32 =	vand.u32 $0xFFFF, v0  }
0x249: {  	v10 =	vand.u32 $0xFFFF, v5;
	v33 =	vshrl.u32 v5, $0x10;
	v13 =	vand.u32 $0xFFFF, v6;
	v5 =	vld [tilespmem:s20+$0xFFFFFF90]  }
0x24a: {  	v34 =	vshrl.u32 v6, $0x10;
	v6 =	vld [tilespmem:s20+$0xFFFFFFA0];
	v16 =	vand.u32 $0xFFFF, v8;
	v37 =	vshrl.u32 v8, $0x10  }
0x24b: {  	v17 =	vand.u32 $0xFFFF, v9;
	v39 =	vshrl.u32 v9, $0x10;
	v8 =	vand.u32 $0xFFFF, v12;
	v9 =	vld [tilespmem:s20+$0xFFFFFFD0]  }
0x24c: {  	v14 =	vand.u32 $0xFFFF, v7;
	v24 =	vand.u32 $0xFFFF, v11;
	v41 =	vshrl.u32 v11, $0x10;
	v11 =	vld [tilespmem:s20+$0xFFFFFFF0]  }
0x24d: {  	v35 =	vshrl.u32 v7, $0x10;
	v7 =	vld.idx.msk [tilespmem:v32+s14+$0x0], $0xffff  }
0x24e: {  	v18 =	vld.idx.msk [tilespmem:v10+s14+$0x0], $0xffff  }
0x24f: {  	v47 =	vld.idx.msk [tilespmem:v13+s14+$0x0], $0xffff  }
0x250: {  	v43 =	vshrl.u32 v12, $0x10;
	v12 =	vld.idx.msk [tilespmem:v8+s14+$0x0], $0xffff  }
0x251: {  	v0 =	vshrl.u32 v0, $0x10;
	v50 =	vld.idx.msk [tilespmem:v14+s14+$0x0], $0xffff  }
0x252: {  	v1 =	vadd.s32 $0x2710, v10;
	v56 =	vld.idx.msk [tilespmem:v17+s14+$0x0], $0xffff  }
0x253: {  	v19 =	vadd.s32 $0x2710, v32;
	v58 =	vadd.s32 $0x4E20, v10;
	v29 =	vadd.s32 $0x7530, v10;
	v10 =	vld [tilespmem:s20+$0xFFFFFFE0]  }
0x254: {  	v52 =	vld.idx.msk [tilespmem:v16+s14+$0x0], $0xffff;
	v7 =	vmul.f32 v7, v42  }
0x255: {  	s22 =	simm.s32 $0x0;
	v61 =	vmul.f32 v18, v6;
	v18 =	vld.idx.msk [tilespmem:v24+s14+$0x0], $0xffff;
	v20 =	vmul.f32 v12, v5  }
0x256: {  	[tilespmem:v0+s22+$0x0] =	vst.idx.add.f32.msk $0xffff, v7  }
0x257: {  	v45 =	vadd.s32 $0x2710, v8;
	[tilespmem:v43+s22+$0x0] =	vst.idx.add.f32.msk $0xffff, v20  }
0x258: {  	v56 =	vmul.f32 v56, v10;
	v2 =	vld.idx.msk [tilespmem:v19+s14+$0x0], $0xffff  }
0x259: {  	v36 =	vadd.s32 $0x2710, v14;
	v54 =	vadd.s32 $0x2710, v39;
	v55 =	vadd.s32 $0x4E20, v8;
	[tilespmem:v33+s22+$0x0] =	vst.idx.add.f32.msk $0xffff, v61  }
0x25a: {  	v60 =	vadd.s32 $0x4E20, v14;
	v7 =	vadd.s32 $0x4E20, v37;
	[tilespmem:v39+s22+$0x0] =	vst.idx.add.f32.msk $0xffff, v56;
	v19 =	vadd.s32 $0x2710, v0  }
0x25b: {  	v12 =	vadd.s32 $0x7530, v14;
	v14 =	vadd.s32 $0x4E20, v32;
	[tilespmem:$0x1FEF0] =	vst v7;
	v7 =	vadd.s32 $0x7530, v8;
	v8 =	vld [tilespmem:s20+$0xFFFFFFC0]  }
0x25c: {  	v26 =	vadd.s32 $0x4E20, v39;
	v21 =	vadd.s32 $0x7530, v39;
	v39 =	vld.idx.msk [tilespmem:v45+s14+$0x0], $0xffff;
	v18 =	vmul.f32 v18, v11  }
0x25d: {  	[tilespmem:$0x1FF10] =	vst v7;
	v7 =	vld [tilespmem:s20+$0xFFFFFFB0];
	v2 =	vmul.f32 v2, v42  }
0x25e: {  	[tilespmem:v41+s22+$0x0] =	vst.idx.add.f32.msk $0xffff, v18  }
0x25f: {  	v40 =	vadd.s32 $0x2710, v17;
	[tilespmem:v19+s22+$0x0] =	vst.idx.add.f32.msk $0xffff, v2  }
0x260: {  	v30 =	vadd.s32 $0x2710, v13;
	v57 =	vadd.s32 $0x2710, v41;
	[tilespmem:$0x1FEE0] =	vst v1;
	v50 =	vmul.f32 v50, v8;
	v14 =	vld.idx.msk [tilespmem:v14+s14+$0x0], $0xffff  }
0x261: {  	v28 =	vadd.s32 $0x4E20, v41;
	v2 =	vmul.f32 v52, v9;
	v19 =	vadd.s32 $0x7530, v41;
	v41 =	vld [tilespmem:$0x1FEE0]  }
0x262: {  	v61 =	vadd.s32 $0x4E20, v0;
	[tilespmem:v35+s22+$0x0] =	vst.idx.add.f32.msk $0xffff, v50  }
0x263: {  	v47 =	vmul.f32 v47, v7;
	[tilespmem:v37+s22+$0x0] =	vst.idx.add.f32.msk $0xffff, v2;
	v2 =	vadd.s32 $0x7530, v32  }
0x264: {  	v50 =	vld.idx.msk [tilespmem:v40+s14+$0x0], $0xffff  }
0x265: {  	[tilespmem:v34+s22+$0x0] =	vst.idx.add.f32.msk $0xffff, v47;
	v14 =	vmul.f32 v14, v42  }
0x266: {  	v38 =	vadd.s32 $0x2710, v16;
	v30 =	vld.idx.msk [tilespmem:v30+s14+$0x0], $0xffff  }
0x267: {  	v44 =	vadd.s32 $0x2710, v24;
	[tilespmem:v61+s22+$0x0] =	vst.idx.add.f32.msk $0xffff, v14  }
0x268: {  	v46 =	vadd.s32 $0x2710, v43;
	v2 =	vld.idx.msk [tilespmem:v2+s14+$0x0], $0xffff  }
0x269: {  	v49 =	vadd.s32 $0x2710, v34;
	v14 =	vld.idx.msk [tilespmem:v41+s14+$0x0], $0xffff  }
0x26a: {  	v0 =	vadd.s32 $0x7530, v0;
	v45 =	vld.idx.msk [tilespmem:v36+s14+$0x0], $0xffff  }
0x26b: {  	v48 =	vadd.s32 $0x2710, v33;
	v18 =	vmul.f32 v39, v5;
	v47 =	vld.idx.msk [tilespmem:v38+s14+$0x0], $0xffff  }
0x26c: {  	v51 =	vadd.s32 $0x2710, v35;
	v52 =	vld.idx.msk [tilespmem:v44+s14+$0x0], $0xffff;
	v56 =	vmul.f32 v30, v7  }
0x26d: {  	v53 =	vadd.s32 $0x2710, v37;
	[tilespmem:v46+s22+$0x0] =	vst.idx.add.f32.msk $0xffff, v18;
	v2 =	vmul.f32 v2, v42  }
0x26e: {  	[tilespmem:v49+s22+$0x0] =	vst.idx.add.f32.msk $0xffff, v56;
	v14 =	vmul.f32 v14, v6  }
0x26f: {  	[tilespmem:v0+s22+$0x0] =	vst.idx.add.f32.msk $0xffff, v2;
	v0 =	vmul.f32 v45, v8  }
0x270: {  	[tilespmem:v48+s22+$0x0] =	vst.idx.add.f32.msk $0xffff, v14;
	v2 =	vmul.f32 v47, v9  }
0x271: {  	[tilespmem:v51+s22+$0x0] =	vst.idx.add.f32.msk $0xffff, v0;
	v0 =	vmul.f32 v50, v10  }
0x272: {  	v59 =	vadd.s32 $0x4E20, v13;
	[tilespmem:v53+s22+$0x0] =	vst.idx.add.f32.msk $0xffff, v2;
	v2 =	vmul.f32 v52, v11  }
0x273: {  	[tilespmem:v54+s22+$0x0] =	vst.idx.add.f32.msk $0xffff, v0  }
0x274: {  	v63 =	vadd.s32 $0x4E20, v17;
	[tilespmem:v57+s22+$0x0] =	vst.idx.add.f32.msk $0xffff, v2  }
0x275: {  	v0 =	vld.idx.msk [tilespmem:v55+s14+$0x0], $0xffff  }
0x276: {  	v2 =	vld.idx.msk [tilespmem:v58+s14+$0x0], $0xffff  }
0x277: {  	v62 =	vadd.s32 $0x4E20, v16;
	v58 =	vld.idx.msk [tilespmem:v59+s14+$0x0], $0xffff  }
0x278: {  	v59 =	vld.idx.msk [tilespmem:v60+s14+$0x0], $0xffff  }
0x279: {  	v1 =	vadd.s32 $0x4E20, v24;
	v61 =	vld.idx.msk [tilespmem:v63+s14+$0x0], $0xffff  }
0x27a: {  	v15 =	vadd.s32 $0x4E20, v43;
	[tilespmem:v22+s21+$0x0] =	vst.idx.add.f32.msk $0xffff, v4  }
0x27b: {  	v4 =	vld [tilespmem:$0x1FEF0]  }
0x27c: {  	v31 =	vadd.s32 $0x4E20, v34;
	v60 =	vld.idx.msk [tilespmem:v62+s14+$0x0], $0xffff  }
0x27d: {  	v0 =	vmul.f32 v0, v5  }
0x27e: {  	v1 =	vld.idx.msk [tilespmem:v1+s14+$0x0], $0xffff  }
0x27f: {  	[tilespmem:v15+s22+$0x0] =	vst.idx.add.f32.msk $0xffff, v0;
	v0 =	vmul.f32 v58, v7;
	_ =	sdelay $0x1  }
0x280: {  	[tilespmem:v31+s22+$0x0] =	vst.idx.add.f32.msk $0xffff, v0;
	v0 =	vmul.f32 v60, v9  }
0x281: {  	[tilespmem:$0x1FF00] =	vst v28  }
0x282: {  	[tilespmem:v4+s22+$0x0] =	vst.idx.add.f32.msk $0xffff, v0  }
0x283: {  	v0 =	vmul.f32 v1, v11;
	v1 =	vld [tilespmem:$0x1FF00];
	_ =	sdelay $0x7  }
0x284: {  	[tilespmem:v1+s22+$0x0] =	vst.idx.add.f32.msk $0xffff, v0  }
0x285: {  	v27 =	vadd.s32 $0x4E20, v33;
	v0 =	vld [tilespmem:$0x1FF10];
	_ =	sdelay $0x1  }
0x286: {  	v25 =	vadd.s32 $0x4E20, v35  }
0x287: {  	v2 =	vmul.f32 v2, v6;
	_ =	sdelay $0x1  }
0x288: {  	[tilespmem:v27+s22+$0x0] =	vst.idx.add.f32.msk $0xffff, v2;
	v2 =	vmul.f32 v59, v8  }
0x289: {  	v13 =	vadd.s32 $0x7530, v13  }
0x28a: {  	[tilespmem:v25+s22+$0x0] =	vst.idx.add.f32.msk $0xffff, v2  }
0x28b: {  	[tilespmem:$0x1FF20] =	vst v29;
	v24 =	vadd.s32 $0x7530, v24;
	v2 =	vmul.f32 v61, v10;
	v0 =	vld.idx.msk [tilespmem:v0+s14+$0x0], $0xffff  }
0x28c: {  	v1 =	vld [tilespmem:$0x1FF20]  }
0x28d: {  	v28 =	vadd.s32 $0x7530, v16;
	v16 =	vadd.s32 $0x7530, v43;
	[tilespmem:v26+s22+$0x0] =	vst.idx.add.f32.msk $0xffff, v2  }
0x28e: {  	v2 =	vld.idx.msk [tilespmem:v13+s14+$0x0], $0xffff  }
0x28f: {  	v29 =	vadd.s32 $0x7530, v17;
	v17 =	vadd.s32 $0x7530, v33  }
0x290: {  	[tilespmem:$0x1FF30] =	vst v17;
	v0 =	vmul.f32 v0, v5;
	v5 =	vld.idx.msk [tilespmem:v24+s14+$0x0], $0xffff  }
0x291: {  	[tilespmem:v23+s21+$0x0] =	vst.idx.add.f32.msk $0xffff, v3;
	s21 =	smov.u32 s22  }
0x292: {  	[tilespmem:v16+s21+$0x0] =	vst.idx.add.f32.msk $0xffff, v0  }
0x293: {  	v0 =	vmul.f32 v2, v7;
	v2 =	vld [tilespmem:$0x1FF30]  }
0x294: {  	v1 =	vld.idx.msk [tilespmem:v1+s14+$0x0], $0xffff  }
0x295: {  	v17 =	vadd.s32 $0x7530, v34;
	v62 =	vld.idx.msk [tilespmem:v28+s14+$0x0], $0xffff  }
0x296: {  	v4 =	vld.idx.msk [tilespmem:v12+s14+$0x0], $0xffff  }
0x297: {  	s19 =	sadd.s32 $0x8, s19;
	v20 =	vadd.s32 $0x7530, v37  }
0x298: {  	p0 =	slt.u32 s19, $0x1E8;
	v43 =	vadd.s32 $0x7530, v35;
	v63 =	vld.idx.msk [tilespmem:v29+s14+$0x0], $0xffff  }
.Ltmp9:
0x299: {  	v1 =	vmul.f32 v1, v6;
	(pc) =	sbr.rel @p0 .LBB2_21-.Ltmp9, $4  }
0x29a: {  	[tilespmem:v17+s21+$0x0] =	vst.idx.add.f32.msk $0xffff, v0;
	v0 =	vmul.f32 v62, v9  }
0x29b: {  	[tilespmem:v2+s21+$0x0] =	vst.idx.add.f32.msk $0xffff, v1;
	v1 =	vmul.f32 v4, v8  }
0x29c: {  	v22 =	vmov v21;
	[tilespmem:v20+s21+$0x0] =	vst.idx.add.f32.msk $0xffff, v0  }
0x29d: {  	s20 =	sadd.s32 $0x80, s20;
	v23 =	vmov v19;
	v3 =	vmul.f32 v5, v11;
	v4 =	vmul.f32 v63, v10;
	[tilespmem:v43+s21+$0x0] =	vst.idx.add.f32.msk $0xffff, v1  }
0x29e: {  	_ =	sdelay $0x3  }
0x29f: {  	[tilespmem:v22+s21+$0x0] =	vst.idx.add.f32.msk $0xffff, v4  }
0x2a0: {  	[tilespmem:v23+s21+$0x0] =	vst.idx.add.f32.msk $0xffff, v3  }
.LBB2_23:
0x2a1: {  	s19 =	sshra.s32 s22, $0x2  }
0x2a2: {  	v0 =	vld [tilespmem:s19+$0x15800];
	_ =	sdelay $0x4  }
0x2a3: {  	v1 =	vand.u32 $0xFFFF, v0;
	_ =	sdelay $0x3  }
0x2a4: {  	v2 =	vld [tilespmem:s19+$0x17740]  }
0x2a5: {  	v3 =	vld.idx.msk [tilespmem:v1+s14+$0x0], $0xffff;
	_ =	sdelay $0x1  }
0x2a6: {  	v0 =	vshrl.u32 v0, $0x10  }
0x2a7: {  	v4 =	vadd.s32 $0x2710, v1;
	_ =	sdelay $0x1  }
0x2a8: {  	v3 =	vmul.f32 v3, v2;
	_ =	sdelay $0x1  }
0x2a9: {  	[tilespmem:v0+s2+$0x0] =	vst.idx.add.f32.msk $0xffff, v3  }
0x2aa: {  	v3 =	vld.idx.msk [tilespmem:v4+s14+$0x0], $0xffff;
	_ =	sdelay $0x1  }
0x2ab: {  	v62 =	vadd.s32 $0x2710, v0  }
0x2ac: {  	v5 =	vadd.s32 $0x4E20, v1;
	_ =	sdelay $0x1  }
0x2ad: {  	v3 =	vmul.f32 v3, v2;
	_ =	sdelay $0x1  }
0x2ae: {  	[tilespmem:v62+s2+$0x0] =	vst.idx.add.f32.msk $0xffff, v3  }
0x2af: {  	v3 =	vld.idx.msk [tilespmem:v5+s14+$0x0], $0xffff;
	_ =	sdelay $0x1  }
0x2b0: {  	v63 =	vadd.s32 $0x4E20, v0  }
0x2b1: {  	v1 =	vadd.s32 $0x7530, v1;
	_ =	sdelay $0x1  }
0x2b2: {  	v3 =	vmul.f32 v3, v2;
	_ =	sdelay $0x1  }
0x2b3: {  	[tilespmem:v63+s2+$0x0] =	vst.idx.add.f32.msk $0xffff, v3  }
0x2b4: {  	v1 =	vld.idx.msk [tilespmem:v1+s14+$0x0], $0xffff;
	_ =	sdelay $0x1  }
0x2b5: {  	p0 =	sne.s32 s22, $0xC0;
	v0 =	vadd.s32 $0x7530, v0  }
.Ltmp10:
0x2b6: {  	_ = 	snop;
	(pc) =	sbr.rel @p0 .LBB2_23-.Ltmp10, $3  }
0x2b7: {  	_ = 	snop  }
0x2b8: {  	v1 =	vmul.f32 v1, v2;
	_ =	sdelay $0x1  }
0x2b9: {  	s22 =	sadd.s32 $0x40, s22;
	[tilespmem:v0+s2+$0x0] =	vst.idx.add.f32.msk $0xffff, v1  }
0x2ba: {  	s19 =	sshll.u32 s18, $0x1  }
0x2bb: {  	s20 =	sadd.s32 $0x2, s19  }
0x2bc: {  	s21 =	sshrl.u32 s20, $0x3  }
0x2bd: {  	s20 =	sshll.u32 s20, $0x7;
	s21 =	smul.u32 $0x1F400, s21  }
0x2be: {  	s20 =	sand.u32 $0x300, s20  }
0x2bf: {  	s20 =	sor.u32 s20, s21  }
0x2c0: {  	s20 =	sshrl.u32 s20, $0x3  }
0x2c1: {  	s20 =	sadd.s32 s3, s20  }
0x2c2: {  	[tilespmem:s11], [sflag:$0x1] =	stream.strided.gather [hbm4b:s20+s9], $0x3E80, s10, s9, $0x38;
	[tilespmem:$0x1B600] =	vst v63  }
0x2c3: {  	_ =	swait.ge [sflag:s15], $0x3E80  }
0x2c4: {  	[sflag:s15] =	ssyncset.done $0x0  }
0x2c5: {  	s31 =	simm.s32 $0x19730;
	[sflag:s15] =	ssyncadd.s32 $0xFFFFC180  }
0x2c6: {  	v0 =	vld [tilespmem:s31+$0xFFFFE0C0]  }
0x2c7: {  	v11 =	vld [tilespmem:s31+$0xFFFFE060]  }
0x2c8: {  	v12 =	vld [tilespmem:s31+$0xFFFFE070]  }
0x2c9: {  	v13 =	vld [tilespmem:s31+$0xFFFFE080]  }
0x2ca: {  	v14 =	vld [tilespmem:s31+$0xFFFFE090]  }
0x2cb: {  	v15 =	vld [tilespmem:s31+$0xFFFFE0A0]  }
0x2cc: {  	v17 =	vld [tilespmem:s31+$0xFFFFE0B0]  }
0x2cd: {  	v7 =	vld [tilespmem:s31+$0xFFFFE050]  }
0x2ce: {  	v2 =	vld [tilespmem:s31+$0xFFFFFF90]  }
0x2cf: {  	v1 =	vld [tilespmem:s31+$0xFFFFFFA0]  }
0x2d0: {  	v18 =	vld [tilespmem:s31+$0x0];
	v16 =	vand.u32 $0xFFFF, v0  }
0x2d1: {  	v42 =	vld [tilespmem:s31+$0xFFFFFFB0];
	v8 =	vand.u32 $0xFFFF, v11  }
0x2d2: {  	v43 =	vld [tilespmem:s31+$0xFFFFFFD0];
	v5 =	vand.u32 $0xFFFF, v12  }
0x2d3: {  	v44 =	vld [tilespmem:s31+$0xFFFFFFE0];
	v19 =	vand.u32 $0xFFFF, v7  }
0x2d4: {  	v3 =	vand.u32 $0xFFFF, v13;
	v28 =	vshrl.u32 v7, $0x10;
	v7 =	vld [tilespmem:s31+$0xFFFFFFC0]  }
0x2d5: {  	v4 =	vand.u32 $0xFFFF, v14;
	v9 =	vld.idx.msk [tilespmem:v16+s14+$0x0], $0xffff  }
0x2d6: {  	v6 =	vand.u32 $0xFFFF, v15;
	v20 =	vld.idx.msk [tilespmem:v8+s14+$0x0], $0xffff  }
0x2d7: {  	v23 =	vand.u32 $0xFFFF, v17;
	v21 =	vld.idx.msk [tilespmem:v5+s14+$0x0], $0xffff  }
0x2d8: {  	v0 =	vshrl.u32 v0, $0x10;
	v26 =	vld.idx.msk [tilespmem:v19+s14+$0x0], $0xffff  }
0x2d9: {  	v10 =	vadd.s32 $0x2710, v16;
	v22 =	vld.idx.msk [tilespmem:v3+s14+$0x0], $0xffff  }
0x2da: {  	v24 =	vld.idx.msk [tilespmem:v4+s14+$0x0], $0xffff  }
0x2db: {  	v12 =	vshrl.u32 v12, $0x10;
	v25 =	vld.idx.msk [tilespmem:v6+s14+$0x0], $0xffff;
	v9 =	vmul.f32 v9, v18  }
0x2dc: {  	s20 =	simm.s32 $0x0;
	v29 =	vld.idx.msk [tilespmem:v23+s14+$0x0], $0xffff  }
0x2dd: {  	v15 =	vshrl.u32 v15, $0x10;
	v26 =	vmul.f32 v26, v2;
	[tilespmem:v0+s20+$0x0] =	vst.idx.add.f32.msk $0xffff, v9  }
0x2de: {  	v32 =	vshrl.u32 v11, $0x10;
	v21 =	vmul.f32 v21, v42;
	v27 =	vld.idx.msk [tilespmem:v10+s14+$0x0], $0xffff  }
0x2df: {  	v13 =	vshrl.u32 v13, $0x10;
	[tilespmem:v28+s20+$0x0] =	vst.idx.add.f32.msk $0xffff, v26  }
0x2e0: {  	v30 =	vadd.s32 $0x2710, v0;
	[tilespmem:v12+s20+$0x0] =	vst.idx.add.f32.msk $0xffff, v21;
	v21 =	vmul.f32 v25, v44  }
0x2e1: {  	v31 =	vadd.s32 $0x4E20, v16;
	v20 =	vmul.f32 v20, v1;
	v26 =	vld [tilespmem:s31+$0xFFFFFFF0]  }
0x2e2: {  	v22 =	vmul.f32 v22, v7;
	[tilespmem:v15+s20+$0x0] =	vst.idx.add.f32.msk $0xffff, v21;
	v21 =	vadd.s32 $0x2710, v5  }
0x2e3: {  	v14 =	vshrl.u32 v14, $0x10;
	[tilespmem:v32+s20+$0x0] =	vst.idx.add.f32.msk $0xffff, v20;
	v27 =	vmul.f32 v27, v18  }
0x2e4: {  	v17 =	vshrl.u32 v17, $0x10;
	[tilespmem:v13+s20+$0x0] =	vst.idx.add.f32.msk $0xffff, v22  }
0x2e5: {  	v47 =	vadd.s32 $0x2710, v23;
	[tilespmem:v30+s20+$0x0] =	vst.idx.add.f32.msk $0xffff, v27  }
0x2e6: {  	v45 =	vadd.s32 $0x2710, v19;
	v20 =	vmul.f32 v24, v43;
	v27 =	vld.idx.msk [tilespmem:v31+s14+$0x0], $0xffff  }
0x2e7: {  	v24 =	vmul.f32 v29, v26;
	v21 =	vld.idx.msk [tilespmem:v21+s14+$0x0], $0xffff  }
0x2e8: {  	v46 =	vadd.s32 $0x2710, v3;
	[tilespmem:v14+s20+$0x0] =	vst.idx.add.f32.msk $0xffff, v20  }
0x2e9: {  	v22 =	vadd.s32 $0x4E20, v0;
	[tilespmem:v17+s20+$0x0] =	vst.idx.add.f32.msk $0xffff, v24  }
0x2ea: {  	v16 =	vadd.s32 $0x7530, v16;
	v30 =	vld.idx.msk [tilespmem:v47+s14+$0x0], $0xffff  }
0x2eb: {  	v20 =	vadd.s32 $0x2710, v8;
	v25 =	vmul.f32 v27, v18;
	v27 =	vld.idx.msk [tilespmem:v45+s14+$0x0], $0xffff  }
0x2ec: {  	v50 =	vmul.f32 v21, v42;
	v21 =	vadd.s32 $0x2710, v17  }
0x2ed: {  	v29 =	vld.idx.msk [tilespmem:v46+s14+$0x0], $0xffff;
	v24 =	vadd.s32 $0x2710, v28  }
0x2ee: {  	[tilespmem:v22+s20+$0x0] =	vst.idx.add.f32.msk $0xffff, v25;
	v22 =	vadd.s32 $0x2710, v4  }
0x2ef: {  	v53 =	vmul.f32 v30, v26;
	v25 =	vadd.s32 $0x2710, v6;
	v16 =	vld.idx.msk [tilespmem:v16+s14+$0x0], $0xffff  }
0x2f0: {  	v20 =	vld.idx.msk [tilespmem:v20+s14+$0x0], $0xffff;
	v27 =	vmul.f32 v27, v2  }
0x2f1: {  	v0 =	vadd.s32 $0x7530, v0;
	[tilespmem:v21+s20+$0x0] =	vst.idx.add.f32.msk $0xffff, v53  }
0x2f2: {  	v48 =	vadd.s32 $0x2710, v32;
	[tilespmem:v24+s20+$0x0] =	vst.idx.add.f32.msk $0xffff, v27  }
0x2f3: {  	v21 =	vadd.s32 $0x4E20, v23;
	v22 =	vld.idx.msk [tilespmem:v22+s14+$0x0], $0xffff  }
0x2f4: {  	v27 =	vadd.s32 $0x2710, v13;
	v25 =	vld.idx.msk [tilespmem:v25+s14+$0x0], $0xffff;
	v16 =	vmul.f32 v16, v18  }
0x2f5: {  	v20 =	vmul.f32 v20, v1;
	v24 =	vadd.s32 $0x2710, v12  }
0x2f6: {  	[tilespmem:v0+s20+$0x0] =	vst.idx.add.f32.msk $0xffff, v16;
	v0 =	vadd.s32 $0x2710, v15  }
0x2f7: {  	v54 =	vadd.s32 $0x4E20, v3;
	[tilespmem:v48+s20+$0x0] =	vst.idx.add.f32.msk $0xffff, v20;
	v20 =	vmul.f32 v29, v7  }
0x2f8: {  	v21 =	vld.idx.msk [tilespmem:v21+s14+$0x0], $0xffff;
	v52 =	vmul.f32 v22, v43;
	v22 =	vadd.s32 $0x4E20, v8  }
0x2f9: {  	v49 =	vadd.s32 $0x2710, v14;
	[tilespmem:v27+s20+$0x0] =	vst.idx.add.f32.msk $0xffff, v20;
	v20 =	vmul.f32 v25, v44  }
0x2fa: {  	v51 =	vadd.s32 $0x4E20, v19;
	[tilespmem:v24+s20+$0x0] =	vst.idx.add.f32.msk $0xffff, v50  }
0x2fb: {  	[tilespmem:v0+s20+$0x0] =	vst.idx.add.f32.msk $0xffff, v20;
	v0 =	vadd.s32 $0x4E20, v4  }
0x2fc: {  	v55 =	vadd.s32 $0x4E20, v6;
	v18 =	vld.idx.msk [tilespmem:v54+s14+$0x0], $0xffff  }
0x2fd: {  	v24 =	vadd.s32 $0x4E20, v5;
	v22 =	vld.idx.msk [tilespmem:v22+s14+$0x0], $0xffff  }
0x2fe: {  	v57 =	vadd.s32 $0x4E20, v13;
	[tilespmem:v49+s20+$0x0] =	vst.idx.add.f32.msk $0xffff, v52  }
0x2ff: {  	v27 =	vadd.s32 $0x4E20, v32;
	v20 =	vld.idx.msk [tilespmem:v51+s14+$0x0], $0xffff  }
0x300: {  	v3 =	vadd.s32 $0x7530, v3;
	v0 =	vld.idx.msk [tilespmem:v0+s14+$0x0], $0xffff  }
0x301: {  	v25 =	vadd.s32 $0x4E20, v28;
	v16 =	vld.idx.msk [tilespmem:v55+s14+$0x0], $0xffff;
	v18 =	vmul.f32 v18, v7  }
0x302: {  	v58 =	vadd.s32 $0x4E20, v14;
	v24 =	vld.idx.msk [tilespmem:v24+s14+$0x0], $0xffff;
	v22 =	vmul.f32 v22, v1  }
0x303: {  	v8 =	vadd.s32 $0x7530, v8;
	[tilespmem:v57+s20+$0x0] =	vst.idx.add.f32.msk $0xffff, v18  }
0x304: {  	v20 =	vmul.f32 v20, v2;
	[tilespmem:v27+s20+$0x0] =	vst.idx.add.f32.msk $0xffff, v22;
	v22 =	vadd.s32 $0x4E20, v17  }
0x305: {  	v19 =	vadd.s32 $0x7530, v19;
	v3 =	vld.idx.msk [tilespmem:v3+s14+$0x0], $0xffff;
	v0 =	vmul.f32 v0, v43  }
0x306: {  	v56 =	vadd.s32 $0x4E20, v12;
	[tilespmem:v25+s20+$0x0] =	vst.idx.add.f32.msk $0xffff, v20  }
0x307: {  	[tilespmem:v58+s20+$0x0] =	vst.idx.add.f32.msk $0xffff, v0;
	v0 =	vadd.s32 $0x7530, v5;
	v5 =	vmul.f32 v21, v26  }
0x308: {  	v20 =	vadd.s32 $0x4E20, v15;
	v8 =	vld.idx.msk [tilespmem:v8+s14+$0x0], $0xffff  }
0x309: {  	v4 =	vadd.s32 $0x7530, v4;
	v24 =	vmul.f32 v24, v42;
	[tilespmem:v22+s20+$0x0] =	vst.idx.add.f32.msk $0xffff, v5  }
0x30a: {  	v59 =	vadd.s32 $0x7530, v23;
	v5 =	vadd.s32 $0x7530, v6;
	v6 =	vld.idx.msk [tilespmem:v19+s14+$0x0], $0xffff  }
0x30b: {  	v16 =	vmul.f32 v16, v44;
	[tilespmem:v56+s20+$0x0] =	vst.idx.add.f32.msk $0xffff, v24  }
0x30c: {  	v61 =	vadd.s32 $0x7530, v32;
	v0 =	vld.idx.msk [tilespmem:v0+s14+$0x0], $0xffff  }
0x30d: {  	v60 =	vadd.s32 $0x7530, v28;
	[tilespmem:v20+s20+$0x0] =	vst.idx.add.f32.msk $0xffff, v16  }
0x30e: {  	v12 =	vadd.s32 $0x7530, v12;
	v4 =	vld.idx.msk [tilespmem:v4+s14+$0x0], $0xffff  }
0x30f: {  	v1 =	vmul.f32 v8, v1;
	v63 =	vld.idx.msk [tilespmem:v59+s14+$0x0], $0xffff;
	v2 =	vmul.f32 v6, v2;
	v6 =	vadd.s32 $0x7530, v13  }
0x310: {  	v62 =	vadd.s32 $0x7530, v14;
	v5 =	vld.idx.msk [tilespmem:v5+s14+$0x0], $0xffff  }
0x311: {  	[tilespmem:v61+s20+$0x0] =	vst.idx.add.f32.msk $0xffff, v1;
	v0 =	vmul.f32 v0, v42  }
0x312: {  	v1 =	vmul.f32 v3, v7;
	[tilespmem:v60+s20+$0x0] =	vst.idx.add.f32.msk $0xffff, v2  }
0x313: {  	[tilespmem:v12+s20+$0x0] =	vst.idx.add.f32.msk $0xffff, v0;
	v0 =	vmul.f32 v4, v43  }
0x314: {  	v24 =	vadd.s32 $0x7530, v17;
	[tilespmem:v6+s20+$0x0] =	vst.idx.add.f32.msk $0xffff, v1  }
0x315: {  	s22 =	simm.s32 $0x197B0;
	s23 =	simm.s32 $0x0;
	s21 =	simm.s32 $0x0;
	v22 =	vadd.s32 $0x7530, v15;
	v3 =	vmul.f32 v63, v26;
	v4 =	vmul.f32 v5, v44;
	[tilespmem:v62+s20+$0x0] =	vst.idx.add.f32.msk $0xffff, v0  }
.LBB2_25:
0x316: {  	v0 =	vld [tilespmem:s22+$0xFFFFE0C0]  }
0x317: {  	v5 =	vld [tilespmem:s22+$0xFFFFE060]  }
0x318: {  	v6 =	vld [tilespmem:s22+$0xFFFFE070]  }
0x319: {  	v7 =	vld [tilespmem:s22+$0xFFFFE080]  }
0x31a: {  	v8 =	vld [tilespmem:s22+$0xFFFFE090]  }
0x31b: {  	v9 =	vld [tilespmem:s22+$0xFFFFE0A0]  }
0x31c: {  	v12 =	vld [tilespmem:s22+$0xFFFFE050]  }
0x31d: {  	v11 =	vld [tilespmem:s22+$0xFFFFE0B0]  }
0x31e: {  	v42 =	vld [tilespmem:s22+$0x0];
	v31 =	vand.u32 $0xFFFF, v0  }
0x31f: {  	v10 =	vand.u32 $0xFFFF, v5;
	v32 =	vshrl.u32 v5, $0x10;
	v13 =	vand.u32 $0xFFFF, v6;
	v5 =	vld [tilespmem:s22+$0xFFFFFF90]  }
0x320: {  	v33 =	vshrl.u32 v6, $0x10;
	v6 =	vld [tilespmem:s22+$0xFFFFFFA0];
	v16 =	vand.u32 $0xFFFF, v8;
	v37 =	vshrl.u32 v8, $0x10  }
0x321: {  	v17 =	vand.u32 $0xFFFF, v9;
	v39 =	vshrl.u32 v9, $0x10;
	v8 =	vand.u32 $0xFFFF, v12;
	v9 =	vld [tilespmem:s22+$0xFFFFFFD0]  }
0x322: {  	v14 =	vand.u32 $0xFFFF, v7;
	v23 =	vand.u32 $0xFFFF, v11;
	v41 =	vshrl.u32 v11, $0x10;
	v11 =	vld [tilespmem:s22+$0xFFFFFFF0]  }
0x323: {  	v35 =	vshrl.u32 v7, $0x10;
	v7 =	vld.idx.msk [tilespmem:v31+s14+$0x0], $0xffff  }
0x324: {  	v18 =	vld.idx.msk [tilespmem:v10+s14+$0x0], $0xffff  }
0x325: {  	v47 =	vld.idx.msk [tilespmem:v13+s14+$0x0], $0xffff  }
0x326: {  	v43 =	vshrl.u32 v12, $0x10;
	v12 =	vld.idx.msk [tilespmem:v8+s14+$0x0], $0xffff  }
0x327: {  	v0 =	vshrl.u32 v0, $0x10;
	v50 =	vld.idx.msk [tilespmem:v14+s14+$0x0], $0xffff  }
0x328: {  	v52 =	vld.idx.msk [tilespmem:v16+s14+$0x0], $0xffff  }
0x329: {  	v1 =	vadd.s32 $0x2710, v10;
	v19 =	vadd.s32 $0x2710, v31;
	v56 =	vld.idx.msk [tilespmem:v17+s14+$0x0], $0xffff  }
0x32a: {  	v58 =	vadd.s32 $0x4E20, v10;
	v29 =	vadd.s32 $0x7530, v10;
	v10 =	vld [tilespmem:s22+$0xFFFFFFE0];
	v7 =	vmul.f32 v7, v42  }
0x32b: {  	v61 =	vmul.f32 v18, v6;
	v18 =	vld.idx.msk [tilespmem:v23+s14+$0x0], $0xffff;
	v20 =	vmul.f32 v12, v5  }
0x32c: {  	[tilespmem:v0+s20+$0x0] =	vst.idx.add.f32.msk $0xffff, v7  }
0x32d: {  	[tilespmem:v43+s20+$0x0] =	vst.idx.add.f32.msk $0xffff, v20  }
0x32e: {  	v36 =	vadd.s32 $0x2710, v14;
	v45 =	vadd.s32 $0x2710, v8;
	[tilespmem:$0x1FE80] =	vst v1;
	v2 =	vld.idx.msk [tilespmem:v19+s14+$0x0], $0xffff  }
0x32f: {  	v54 =	vadd.s32 $0x2710, v39;
	v56 =	vmul.f32 v56, v10;
	v7 =	vadd.s32 $0x4E20, v37;
	[tilespmem:v32+s20+$0x0] =	vst.idx.add.f32.msk $0xffff, v61  }
0x330: {  	v55 =	vadd.s32 $0x4E20, v8;
	[tilespmem:$0x1FE90] =	vst v7;
	v7 =	vadd.s32 $0x7530, v8;
	v8 =	vld [tilespmem:s22+$0xFFFFFFC0];
	v19 =	vadd.s32 $0x2710, v0  }
0x331: {  	v60 =	vadd.s32 $0x4E20, v14;
	v12 =	vadd.s32 $0x7530, v14;
	v14 =	vadd.s32 $0x4E20, v31;
	[tilespmem:v39+s20+$0x0] =	vst.idx.add.f32.msk $0xffff, v56  }
0x332: {  	v26 =	vadd.s32 $0x4E20, v39;
	v21 =	vadd.s32 $0x7530, v39;
	v39 =	vld [tilespmem:$0x1FE80];
	v18 =	vmul.f32 v18, v11  }
0x333: {  	v40 =	vadd.s32 $0x2710, v17;
	[tilespmem:$0x1FEB0] =	vst v7;
	v7 =	vld [tilespmem:s22+$0xFFFFFFB0];
	v2 =	vmul.f32 v2, v42  }
0x334: {  	[tilespmem:v41+s20+$0x0] =	vst.idx.add.f32.msk $0xffff, v18  }
0x335: {  	v50 =	vmul.f32 v50, v8;
	[tilespmem:v19+s20+$0x0] =	vst.idx.add.f32.msk $0xffff, v2  }
0x336: {  	v14 =	vld.idx.msk [tilespmem:v14+s14+$0x0], $0xffff  }
0x337: {  	v34 =	vadd.s32 $0x2710, v13;
	v2 =	vmul.f32 v52, v9;
	[tilespmem:v35+s20+$0x0] =	vst.idx.add.f32.msk $0xffff, v50  }
0x338: {  	v61 =	vadd.s32 $0x4E20, v0;
	v47 =	vmul.f32 v47, v7;
	v50 =	vld.idx.msk [tilespmem:v40+s14+$0x0], $0xffff  }
0x339: {  	[tilespmem:v37+s20+$0x0] =	vst.idx.add.f32.msk $0xffff, v2;
	v2 =	vadd.s32 $0x7530, v31  }
0x33a: {  	v38 =	vadd.s32 $0x2710, v16;
	[tilespmem:v33+s20+$0x0] =	vst.idx.add.f32.msk $0xffff, v47  }
0x33b: {  	v53 =	vadd.s32 $0x2710, v37;
	v20 =	vadd.s32 $0x7530, v37;
	v37 =	vld.idx.msk [tilespmem:v45+s14+$0x0], $0xffff;
	v14 =	vmul.f32 v14, v42  }
0x33c: {  	v57 =	vadd.s32 $0x2710, v41;
	v28 =	vadd.s32 $0x4E20, v41;
	v19 =	vadd.s32 $0x7530, v41;
	v41 =	vld.idx.msk [tilespmem:v34+s14+$0x0], $0xffff  }
0x33d: {  	v44 =	vadd.s32 $0x2710, v23;
	[tilespmem:v61+s20+$0x0] =	vst.idx.add.f32.msk $0xffff, v14  }
0x33e: {  	v46 =	vadd.s32 $0x2710, v43;
	v2 =	vld.idx.msk [tilespmem:v2+s14+$0x0], $0xffff  }
0x33f: {  	v49 =	vadd.s32 $0x2710, v33;
	v14 =	vld.idx.msk [tilespmem:v39+s14+$0x0], $0xffff  }
0x340: {  	v0 =	vadd.s32 $0x7530, v0;
	v45 =	vld.idx.msk [tilespmem:v36+s14+$0x0], $0xffff  }
0x341: {  	v48 =	vadd.s32 $0x2710, v32;
	v47 =	vld.idx.msk [tilespmem:v38+s14+$0x0], $0xffff;
	v18 =	vmul.f32 v37, v5  }
0x342: {  	v51 =	vadd.s32 $0x2710, v35;
	v52 =	vld.idx.msk [tilespmem:v44+s14+$0x0], $0xffff;
	v56 =	vmul.f32 v41, v7  }
0x343: {  	[tilespmem:v46+s20+$0x0] =	vst.idx.add.f32.msk $0xffff, v18;
	v2 =	vmul.f32 v2, v42  }
0x344: {  	[tilespmem:v49+s20+$0x0] =	vst.idx.add.f32.msk $0xffff, v56;
	v14 =	vmul.f32 v14, v6  }
0x345: {  	[tilespmem:v0+s20+$0x0] =	vst.idx.add.f32.msk $0xffff, v2;
	v0 =	vmul.f32 v45, v8  }
0x346: {  	[tilespmem:v48+s20+$0x0] =	vst.idx.add.f32.msk $0xffff, v14;
	v2 =	vmul.f32 v47, v9  }
0x347: {  	[tilespmem:v51+s20+$0x0] =	vst.idx.add.f32.msk $0xffff, v0;
	v0 =	vmul.f32 v50, v10  }
0x348: {  	v59 =	vadd.s32 $0x4E20, v13;
	[tilespmem:v53+s20+$0x0] =	vst.idx.add.f32.msk $0xffff, v2;
	v2 =	vmul.f32 v52, v11  }
0x349: {  	[tilespmem:v54+s20+$0x0] =	vst.idx.add.f32.msk $0xffff, v0  }
0x34a: {  	v63 =	vadd.s32 $0x4E20, v17;
	[tilespmem:v57+s20+$0x0] =	vst.idx.add.f32.msk $0xffff, v2  }
0x34b: {  	v0 =	vld.idx.msk [tilespmem:v55+s14+$0x0], $0xffff  }
0x34c: {  	v2 =	vld.idx.msk [tilespmem:v58+s14+$0x0], $0xffff  }
0x34d: {  	v62 =	vadd.s32 $0x4E20, v16;
	v58 =	vld.idx.msk [tilespmem:v59+s14+$0x0], $0xffff  }
0x34e: {  	v59 =	vld.idx.msk [tilespmem:v60+s14+$0x0], $0xffff  }
0x34f: {  	v1 =	vadd.s32 $0x4E20, v23;
	v61 =	vld.idx.msk [tilespmem:v63+s14+$0x0], $0xffff  }
0x350: {  	v15 =	vadd.s32 $0x4E20, v43;
	[tilespmem:v22+s23+$0x0] =	vst.idx.add.f32.msk $0xffff, v4  }
0x351: {  	v4 =	vld [tilespmem:$0x1FE90]  }
0x352: {  	v30 =	vadd.s32 $0x4E20, v33;
	v60 =	vld.idx.msk [tilespmem:v62+s14+$0x0], $0xffff  }
0x353: {  	v0 =	vmul.f32 v0, v5  }
0x354: {  	v1 =	vld.idx.msk [tilespmem:v1+s14+$0x0], $0xffff  }
0x355: {  	[tilespmem:v15+s20+$0x0] =	vst.idx.add.f32.msk $0xffff, v0;
	v0 =	vmul.f32 v58, v7;
	_ =	sdelay $0x1  }
0x356: {  	[tilespmem:v30+s20+$0x0] =	vst.idx.add.f32.msk $0xffff, v0;
	v0 =	vmul.f32 v60, v9  }
0x357: {  	[tilespmem:$0x1FEA0] =	vst v28  }
0x358: {  	[tilespmem:v4+s20+$0x0] =	vst.idx.add.f32.msk $0xffff, v0  }
0x359: {  	v0 =	vmul.f32 v1, v11;
	v1 =	vld [tilespmem:$0x1FEA0];
	_ =	sdelay $0x7  }
0x35a: {  	[tilespmem:v1+s20+$0x0] =	vst.idx.add.f32.msk $0xffff, v0  }
0x35b: {  	v27 =	vadd.s32 $0x4E20, v32;
	v0 =	vld [tilespmem:$0x1FEB0];
	_ =	sdelay $0x1  }
0x35c: {  	v25 =	vadd.s32 $0x4E20, v35  }
0x35d: {  	v2 =	vmul.f32 v2, v6;
	_ =	sdelay $0x1  }
0x35e: {  	[tilespmem:v27+s20+$0x0] =	vst.idx.add.f32.msk $0xffff, v2;
	v2 =	vmul.f32 v59, v8  }
0x35f: {  	v13 =	vadd.s32 $0x7530, v13  }
0x360: {  	[tilespmem:v25+s20+$0x0] =	vst.idx.add.f32.msk $0xffff, v2  }
0x361: {  	[tilespmem:$0x1FEC0] =	vst v29;
	v23 =	vadd.s32 $0x7530, v23;
	v2 =	vmul.f32 v61, v10;
	v0 =	vld.idx.msk [tilespmem:v0+s14+$0x0], $0xffff  }
0x362: {  	v1 =	vld [tilespmem:$0x1FEC0]  }
0x363: {  	v28 =	vadd.s32 $0x7530, v16;
	v16 =	vadd.s32 $0x7530, v43;
	[tilespmem:v26+s20+$0x0] =	vst.idx.add.f32.msk $0xffff, v2  }
0x364: {  	v2 =	vld.idx.msk [tilespmem:v13+s14+$0x0], $0xffff  }
0x365: {  	v29 =	vadd.s32 $0x7530, v17;
	v17 =	vadd.s32 $0x7530, v32  }
0x366: {  	[tilespmem:$0x1FED0] =	vst v17;
	v0 =	vmul.f32 v0, v5;
	v5 =	vld.idx.msk [tilespmem:v23+s14+$0x0], $0xffff  }
0x367: {  	[tilespmem:v24+s23+$0x0] =	vst.idx.add.f32.msk $0xffff, v3;
	s23 =	smov.u32 s20  }
0x368: {  	[tilespmem:v16+s23+$0x0] =	vst.idx.add.f32.msk $0xffff, v0  }
0x369: {  	v0 =	vmul.f32 v2, v7;
	v2 =	vld [tilespmem:$0x1FED0]  }
0x36a: {  	v1 =	vld.idx.msk [tilespmem:v1+s14+$0x0], $0xffff  }
0x36b: {  	v17 =	vadd.s32 $0x7530, v33;
	v62 =	vld.idx.msk [tilespmem:v28+s14+$0x0], $0xffff  }
0x36c: {  	v4 =	vld.idx.msk [tilespmem:v12+s14+$0x0], $0xffff  }
0x36d: {  	s21 =	sadd.s32 $0x8, s21  }
0x36e: {  	p0 =	slt.u32 s21, $0x1E8;
	v43 =	vadd.s32 $0x7530, v35;
	v63 =	vld.idx.msk [tilespmem:v29+s14+$0x0], $0xffff  }
.Ltmp11:
0x36f: {  	v1 =	vmul.f32 v1, v6;
	(pc) =	sbr.rel @p0 .LBB2_25-.Ltmp11, $4  }
0x370: {  	[tilespmem:v17+s23+$0x0] =	vst.idx.add.f32.msk $0xffff, v0;
	v0 =	vmul.f32 v62, v9  }
0x371: {  	[tilespmem:v2+s23+$0x0] =	vst.idx.add.f32.msk $0xffff, v1;
	v1 =	vmul.f32 v4, v8  }
0x372: {  	v22 =	vmov v21;
	[tilespmem:v20+s23+$0x0] =	vst.idx.add.f32.msk $0xffff, v0  }
0x373: {  	s22 =	sadd.s32 $0x80, s22;
	v24 =	vmov v19;
	v3 =	vmul.f32 v5, v11;
	v4 =	vmul.f32 v63, v10;
	[tilespmem:v43+s23+$0x0] =	vst.idx.add.f32.msk $0xffff, v1  }
0x374: {  	_ =	sdelay $0x3  }
0x375: {  	[tilespmem:v22+s23+$0x0] =	vst.idx.add.f32.msk $0xffff, v4  }
0x376: {  	[tilespmem:v24+s23+$0x0] =	vst.idx.add.f32.msk $0xffff, v3  }
.LBB2_27:
0x377: {  	s21 =	sshra.s32 s20, $0x2  }
0x378: {  	v0 =	vld [tilespmem:s21+$0x19680];
	_ =	sdelay $0x4  }
0x379: {  	v1 =	vand.u32 $0xFFFF, v0;
	_ =	sdelay $0x3  }
0x37a: {  	v2 =	vld [tilespmem:s21+$0x1B5C0]  }
0x37b: {  	v3 =	vld.idx.msk [tilespmem:v1+s14+$0x0], $0xffff;
	_ =	sdelay $0x1  }
0x37c: {  	v0 =	vshrl.u32 v0, $0x10  }
0x37d: {  	v4 =	vadd.s32 $0x2710, v1;
	_ =	sdelay $0x1  }
0x37e: {  	v3 =	vmul.f32 v3, v2;
	_ =	sdelay $0x1  }
0x37f: {  	[tilespmem:v0+s2+$0x0] =	vst.idx.add.f32.msk $0xffff, v3  }
0x380: {  	v3 =	vld.idx.msk [tilespmem:v4+s14+$0x0], $0xffff;
	_ =	sdelay $0x1  }
0x381: {  	v62 =	vadd.s32 $0x2710, v0  }
0x382: {  	v5 =	vadd.s32 $0x4E20, v1;
	_ =	sdelay $0x1  }
0x383: {  	v3 =	vmul.f32 v3, v2;
	_ =	sdelay $0x1  }
0x384: {  	[tilespmem:v62+s2+$0x0] =	vst.idx.add.f32.msk $0xffff, v3  }
0x385: {  	v3 =	vld.idx.msk [tilespmem:v5+s14+$0x0], $0xffff;
	_ =	sdelay $0x1  }
0x386: {  	v63 =	vadd.s32 $0x4E20, v0  }
0x387: {  	v1 =	vadd.s32 $0x7530, v1;
	_ =	sdelay $0x1  }
0x388: {  	v3 =	vmul.f32 v3, v2;
	_ =	sdelay $0x1  }
0x389: {  	[tilespmem:v63+s2+$0x0] =	vst.idx.add.f32.msk $0xffff, v3  }
0x38a: {  	v1 =	vld.idx.msk [tilespmem:v1+s14+$0x0], $0xffff;
	_ =	sdelay $0x1  }
0x38b: {  	p0 =	sne.s32 s20, $0xC0;
	v0 =	vadd.s32 $0x7530, v0  }
.Ltmp12:
0x38c: {  	_ = 	snop;
	(pc) =	sbr.rel @p0 .LBB2_27-.Ltmp12, $3  }
0x38d: {  	_ = 	snop  }
0x38e: {  	v1 =	vmul.f32 v1, v2;
	_ =	sdelay $0x1  }
0x38f: {  	s20 =	sadd.s32 $0x40, s20;
	[tilespmem:v0+s2+$0x0] =	vst.idx.add.f32.msk $0xffff, v1  }
0x390: {  	s19 =	sadd.s32 $0x3, s19  }
0x391: {  	s18 =	sadd.s32 $0x1, s18;
	s20 =	sshrl.u32 s19, $0x3  }
0x392: {  	s19 =	sshll.u32 s19, $0x7;
	p0 =	sne.s32 s18, $0x14;
	s20 =	smul.u32 $0x1F400, s20  }
.Ltmp13:
0x393: {  	s19 =	sand.u32 $0x380, s19;
	(pc) =	sbr.rel @p0 .LBB2_20-.Ltmp13, $4  }
0x394: {  	s19 =	sor.u32 s19, s20  }
0x395: {  	s19 =	sshrl.u32 s19, $0x3  }
0x396: {  	s19 =	sadd.s32 s3, s19  }
0x397: {  	[tilespmem:s12], [sflag:$0x2] =	stream.strided.gather [hbm4b:s19+s9], $0x3E80, s10, s9, $0x38;
	[tilespmem:$0x1B600] =	vst v63  }
0x398: {  	_ =	swait.ge [sflag:s13], $0x3E80  }
0x399: {  	[sflag:s13] =	ssyncset.done $0x0  }
0x39a: {  	[sflag:s13] =	ssyncadd.s32 $0xFFFFC180  }
0x39b: {  	s16 =	sadd.s32 $0x1, s16;
	_ =	swait.ge [sflag:s15], $0x3E80  }
0x39c: {  	p0 =	sne.s32 s16, s7;
	[sflag:s15] =	ssyncset.done $0x0  }
.Ltmp14:
0x39d: {  	[sflag:s15] =	ssyncadd.s32 $0xFFFFC180;
	(pc) =	sbr.rel @p0 .LBB2_1-.Ltmp14, $4  }
0x39e: {  	[hbm4b:s6+s2] =	stream.linear.scatter [tilespmem:s2], [sflag:$0x3], $0x9C40, $0x38;
	[tilespmem:$0x1B600] =	vst v63  }
0x39f: {  	_ =	swait.ge [sflag:s8], $0x9C40  }
0x3a0: {  	[sflag:s8] =	ssyncset.done $0x0  }
0x3a1: {  	v0 =	vimm.f32 $0.0e+00;
	[sflag:s8] =	ssyncadd.s32 $0xFFFF63C0  }
0x3a2: {  	_ =	sfence.sel $0x180000  }
0x3a3: {  	[bflag:$0x0] =	sbarrier.arrive $0xFFFF  }
0x3a4: {  	p0 =	sne.s32 s0, $0x0;
	_ =	strace $0x90000047  }
0x3a5: {  	s0 =	sadd.s32 @!p0 $0x100000, s1;
	[bflag:$0x2] =	sbarrier.arrive $0xFFFF  }
0x3a6: {  	[sflag:s0] =	ssyncadd.tile.s32 @!p0 $0x1;
	_ =	shalt  }
.Lfunc_end2:
_tile_overlayer_lowered:
.L_overlay_start_2:
0x3a7: {  	(tag) =	ssettag $0x2  }
0x3a8: {  	s0 =	rddreg [dreg:$0x0];
	s2 =	stileid.u32  }
0x3a9: {  	s1 =	rddreg [dreg:$0x1];
	p0 =	sne.s32 s2, $0x0  }
0x3aa: {  	s3 =	rddreg [dreg:$0x2];
	[bflag:$0x3] =	sbarrier.arrive $0xFFFF;
	s2 =	simm.s32 @!p0 $0x1C03  }
0x3ab: {  	[timem:s3], [sflag:s2] =	dma.local @!p0 [hbm:s0], s1  }
0x3ac: {  	s0 =	simm.s32 @!p0 $0x3  }
0x3ad: {  	_ =	swait.ge @!p0 [sflag:s0], s1  }
0x3ae: {  	s1 =	ssub.s32 @!p0 $0x0, s1;
	[sflag:s0] =	ssyncset.done @!p0 $0x0  }
0x3af: {  	[sflag:s0] =	ssyncadd.s32 @!p0 s1  }
0x3b0: {  	[bflag:$0x3] =	sbarrier.arrive $0xFFFF  }
0x3b1: {  	_ =	shalt  }

</sc_bundles>
